<compile_context>
chip_gen: v7x
topology: tpu7x:2x2x1
jax: 0.10.2.dev20260603
libtpu: 0.0.44.dev20260713+nightly
codegen_flags: <defaults>
</compile_context>

<pallas_src>
import functools

import jax
import jax.numpy as jnp
from jax import lax
from jax.experimental import pallas as pl
from jax.experimental.pallas import tpu as pltpu
from jax.experimental.pallas import tpu_sc as plsc

NC, NS, LANES = 2, 16, 16
N = 10000
E = 160000
C = 256
H = C // 2
NG = 64

K = 100
NCHUNK = 100
PAIRS = NCHUNK // 2
EPT = NCHUNK * K
EPAD = EPT * NS
EROWS = EPAD // K
RPT = N // NS
NACC = N + 8

BR = 1000
GRID = N // BR


def _agg_body(table, srcs, dst, out, src_big, dst_big, rows, acc, sems):
    c = lax.axis_index("c")
    s = lax.axis_index("s")
    roff = s * RPT
    pltpu.sync_copy(table.at[pl.ds(c * N + roff, RPT)], acc.at[pl.ds(roff, RPT)])
    pltpu.sync_copy(srcs.at[pl.ds(c * EROWS + s * NCHUNK, NCHUNK)], src_big)
    pltpu.sync_copy(dst.at[pl.ds(s * NCHUNK, NCHUNK)], dst_big)

    def start(i, b):
        pltpu.make_async_copy(table.at[src_big.at[i]], rows.at[b], sems.at[b]).start()

    def finish(i, b):
        pltpu.make_async_copy(table.at[src_big.at[0]], rows.at[b], sems.at[b]).wait()
        pltpu.sync_copy(rows.at[b], acc.at[dst_big.at[i]], add=True)

    start(0, 0)
    plsc.subcore_barrier()

    def pair(p, carry):
        i0 = p * 2
        start(i0 + 1, 1)
        finish(i0, 0)

        @pl.when(p < PAIRS - 1)
        def _():
            start(i0 + 2, 0)

        finish(i0 + 1, 1)
        return carry

    lax.fori_loop(0, PAIRS, pair, 0)
    plsc.subcore_barrier()
    pltpu.sync_copy(acc.at[pl.ds(roff, RPT)], out.at[pl.ds(c * N + roff, RPT)])


@functools.cache
def _make_agg():
    return pl.kernel(
        _agg_body,
        out_type=jax.ShapeDtypeStruct((2 * N, H), jnp.float32),
        mesh=plsc.VectorSubcoreMesh(
            core_axis_name="c", subcore_axis_name="s", num_cores=NC, num_subcores=NS
        ),
        scratch_types=[
            pltpu.VMEM((NCHUNK, K), jnp.int32),
            pltpu.VMEM((NCHUNK, K), jnp.int32),
            pltpu.VMEM((2, K, H), jnp.float32),
            pltpu.VMEM_SHARED((NACC, H), jnp.float32),
            pltpu.SemaphoreType.DMA((2,)),
        ],
        compiler_params=pltpu.CompilerParams(use_tc_tiling_on_sc=False),
    )


def _agg(table, srcs, dst):
    return _make_agg()(table, srcs, dst)


def _mlp1_body(s_ref, wa_ref, ba_ref, wb_ref, bb_ref, o_ref):
    blk = jnp.concatenate([s_ref[0], s_ref[1]], axis=1)
    t = jnp.maximum(
        jnp.dot(blk, wa_ref[...], preferred_element_type=jnp.float32) + ba_ref[...], 0.0
    )
    u = jnp.maximum(
        jnp.dot(t, wb_ref[...], preferred_element_type=jnp.float32) + bb_ref[...], 0.0
    )
    o_ref[0] = u[:, :H]
    o_ref[1] = u[:, H:]


def _mlp1(s_split, wa, ba, wb, bb):
    return pl.pallas_call(
        _mlp1_body,
        grid=(GRID,),
        in_specs=[
            pl.BlockSpec((2, BR, H), lambda i: (0, i, 0)),
            pl.BlockSpec((C, C), lambda i: (0, 0)),
            pl.BlockSpec((1, C), lambda i: (0, 0)),
            pl.BlockSpec((C, C), lambda i: (0, 0)),
            pl.BlockSpec((1, C), lambda i: (0, 0)),
        ],
        out_specs=pl.BlockSpec((2, BR, H), lambda i: (0, i, 0)),
        out_shape=jax.ShapeDtypeStruct((2, N, H), jnp.float32),
    )(s_split, wa, ba, wb, bb)


def _mlp2_body(s_ref, b_ref, wa_ref, ba_ref, wb_ref, bb_ref, o_ref):
    i = pl.program_id(0)
    blk = jnp.concatenate([s_ref[0], s_ref[1]], axis=1)
    t = jnp.maximum(
        jnp.dot(blk, wa_ref[...], preferred_element_type=jnp.float32) + ba_ref[...], 0.0
    )
    u = jnp.maximum(
        jnp.dot(t, wb_ref[...], preferred_element_type=jnp.float32) + bb_ref[...], 0.0
    )
    bvec = b_ref[0, 0]
    onehot = (
        bvec[:, None] == lax.broadcasted_iota(jnp.int32, (BR, NG), 1)
    ).astype(jnp.float32)
    dims = (((0,), (0,)), ((), ()))
    part = lax.dot_general(onehot, u, dims, preferred_element_type=jnp.float32,
                           precision=lax.Precision.HIGHEST)
    cpart = lax.dot_general(
        onehot, jnp.ones_like(u), dims, preferred_element_type=jnp.float32
    )
    upd = jnp.concatenate([part, cpart], axis=0)

    @pl.when(i == 0)
    def _():
        o_ref[...] = jnp.zeros_like(o_ref)

    o_ref[...] += upd


def _mlp2(s_split, batch3, wa, ba, wb, bb):
    return pl.pallas_call(
        _mlp2_body,
        grid=(GRID,),
        in_specs=[
            pl.BlockSpec((2, BR, H), lambda i: (0, i, 0)),
            pl.BlockSpec((1, 1, BR), lambda i: (i, 0, 0)),
            pl.BlockSpec((C, C), lambda i: (0, 0)),
            pl.BlockSpec((1, C), lambda i: (0, 0)),
            pl.BlockSpec((C, C), lambda i: (0, 0)),
            pl.BlockSpec((1, C), lambda i: (0, 0)),
        ],
        out_specs=pl.BlockSpec((2 * NG, C), lambda i: (0, 0)),
        out_shape=jax.ShapeDtypeStruct((2 * NG, C), jnp.float32),
    )(s_split, batch3, wa, ba, wb, bb)


def _head_body(gc_ref, wl1_ref, bl1_ref, wl2_ref, bl2_ref, o_ref):
    sums = gc_ref[:NG, :]
    cnts = gc_ref[NG:, :]
    g = sums / jnp.maximum(cnts, 1.0)
    z = jnp.maximum(
        jnp.dot(g, wl1_ref[...], preferred_element_type=jnp.float32) + bl1_ref[...], 0.0
    )
    o_ref[...] = jnp.dot(z, wl2_ref[...], preferred_element_type=jnp.float32) + bl2_ref[...]


def _head(gc, wl1, bl1, wl2r, bl2r):
    return pl.pallas_call(
        _head_body,
        grid=(1,),
        in_specs=[
            pl.BlockSpec((2 * NG, C), lambda i: (0, 0)),
            pl.BlockSpec((C, H), lambda i: (0, 0)),
            pl.BlockSpec((1, H), lambda i: (0, 0)),
            pl.BlockSpec((H, H), lambda i: (0, 0)),
            pl.BlockSpec((1, H), lambda i: (0, 0)),
        ],
        out_specs=pl.BlockSpec((NG, H), lambda i: (0, 0)),
        out_shape=jax.ShapeDtypeStruct((NG, H), jnp.float32),
    )(gc, wl1, bl1, wl2r, bl2r)


def kernel(x, edge_index, batch, W1a, b1a, W1b, b1b, W2a, b2a, W2b, b2b, Wl1, bl1, Wl2, bl2):
    src = edge_index[0]
    dst = edge_index[1]
    x_split = jnp.concatenate([x[:, :H], x[:, H:]], axis=0)
    pad = EPAD - E
    src_p = jnp.concatenate([src, jnp.zeros((pad,), jnp.int32)])
    dst_p = jnp.concatenate([dst, jnp.full((pad,), N, jnp.int32)])
    srcs = jnp.concatenate([src_p, src_p + N]).reshape(2 * EROWS, K)
    dst2 = dst_p.reshape(EROWS, K)

    s1 = _agg(x_split, srcs, dst2)
    h1 = _mlp1(s1.reshape(2, N, H), W1a, b1a.reshape(1, C), W1b, b1b.reshape(1, C))
    s2 = _agg(h1.reshape(2 * N, H), srcs, dst2)
    gc = _mlp2(
        s2.reshape(2, N, H),
        batch.reshape(GRID, 1, BR),
        W2a, b2a.reshape(1, C), W2b, b2b.reshape(1, C),
    )
    res = _head(
        gc,
        Wl1, bl1.reshape(1, H),
        jnp.pad(Wl2, ((0, 0), (0, H - 1))),
        jnp.broadcast_to(bl2.reshape(1, 1), (1, H)),
    )
    return res[:, :1]

# --- scband reference (transcript-rebuilt; emitter-appended) ---
"""Pipeline reference for scband-ginmodel-33818572488719 (READ-ONLY COPY).

The authoritative reference and input builder live on the scoring server;
editing this copy changes nothing except your own understanding.
"""

import jax, jax.numpy as jnp
import numpy as np

IN_CH = 256
HID = 256
N_NODES = 10000
N_EDGES = 160000
N_GRAPHS = 64


def setup_inputs(seed: int = 0) -> dict:
    key = jax.random.key(seed)
    ks = jax.random.split(key, 16)
    x = jax.random.normal(ks[0], (N_NODES, IN_CH), dtype=jnp.float32)
    edge_index = jax.random.randint(ks[1], (2, N_EDGES), 0, N_NODES, dtype=jnp.int64 if jax.config.jax_enable_x64 else jnp.int32).astype(jnp.int32)
    batch = jnp.sort(jax.random.randint(ks[2], (N_NODES,), 0, N_GRAPHS)).astype(jnp.int32)
    def lin(k, fin, fout):
        kw, kb = jax.random.split(k)
        bound = 1.0 / np.sqrt(fin)
        W = jax.random.uniform(kw, (fin, fout), minval=-bound, maxval=bound, dtype=jnp.float32)
        b = jax.random.uniform(kb, (fout,), minval=-bound, maxval=bound, dtype=jnp.float32)
        return W, b
    W1a, b1a = lin(ks[3], IN_CH, HID)
    W1b, b1b = lin(ks[4], HID, HID)
    W2a, b2a = lin(ks[5], HID, HID)
    W2b, b2b = lin(ks[6], HID, HID)
    Wl1, bl1 = lin(ks[7], HID, HID // 2)
    Wl2, bl2 = lin(ks[8], HID // 2, 1)
    return {"x": x, "edge_index": edge_index, "batch": batch,
            "W1a": W1a, "b1a": b1a, "W1b": W1b, "b1b": b1b,
            "W2a": W2a, "b2a": b2a, "W2b": W2b, "b2b": b2b,
            "Wl1": Wl1, "bl1": bl1, "Wl2": Wl2, "bl2": bl2}


def _gin_conv(x, edge_index, Wa, ba, Wb, bb, eps=0.0):
    src = edge_index[0]
    dst = edge_index[1]
    agg = jax.ops.segment_sum(jnp.take(x, src, axis=0), dst, num_segments=x.shape[0])
    h = (1.0 + eps) * x + agg
    h = jnp.maximum(h @ Wa + ba, 0.0)
    return h @ Wb + bb


def _global_mean_pool(x, batch, num_graphs):
    sums = jax.ops.segment_sum(x, batch, num_segments=num_graphs)
    counts = jax.ops.segment_sum(jnp.ones((x.shape[0],), dtype=x.dtype), batch, num_segments=num_graphs)
    return sums / jnp.maximum(counts, 1.0)[:, None]


def reference(x, edge_index, batch, W1a, b1a, W1b, b1b, W2a, b2a, W2b, b2b, Wl1, bl1, Wl2, bl2):
    h = jnp.maximum(_gin_conv(x, edge_index, W1a, b1a, W1b, b1b), 0.0)
    h = jnp.maximum(_gin_conv(h, edge_index, W2a, b2a, W2b, b2b), 0.0)
    g = _global_mean_pool(h, batch, N_GRAPHS)
    g = jnp.maximum(g @ Wl1 + bl1, 0.0)
    return g @ Wl2 + bl2

if __name__ == "__main__":
    import jax
    _d = setup_inputs()
    print(jax.jit(kernel)(*tuple(_d.values())))

</pallas_src>

<mosaic_0001>
#map = affine_map<(d0, d1) -> (0, 0)>
module attributes {stable_mosaic.version = 14 : i64} {
  func.func @_agg_body(%arg0: i32, %arg1: i32, %arg2: memref<20000x128xf32, #tpu.memory_space<hbm>>, %arg3: memref<3200x100xi32, #tpu.memory_space<hbm>>, %arg4: memref<1600x100xi32, #tpu.memory_space<hbm>>, %arg5: memref<20000x128xf32, #tpu.memory_space<hbm>>, %arg6: memref<100x100xi32, #tpu.memory_space<vmem>>, %arg7: memref<100x100xi32, #tpu.memory_space<vmem>>, %arg8: memref<2x100x128xf32, #tpu.memory_space<vmem>>, %arg9: memref<10008x128xf32, #tpu.memory_space<vmem_shared>>, %arg10: memref<2x!tpu.dma_semaphore, #tpu.memory_space<semaphore_mem>>) attributes {dimension_semantics = [#tpu.dimension_semantics<core_parallel>, #tpu.dimension_semantics<subcore_parallel>], iteration_bounds = array<i64: 2, 16>, scalar_prefetch = 0 : i64, scratch_operands = 5 : i64, tpu.core_type = #tpu.core_type<sc_vector_subcore>, window_params = [{transform_indices = #map}, {transform_indices = #map}, {transform_indices = #map}, {transform_indices = #map}]} {
    %mul3A = arith.constant 625 : i32
    %mul3A_0 = arith.muli %arg1, %mul3A : i32
    %mul3A_1 = arith.constant 10000 : i32
    %mul3A_2 = arith.muli %arg0, %mul3A_1 : i32
    %add3A = arith.addi %mul3A_2, %mul3A_0 : i32
    "tpu.region"() ({
      %run_scoped3A = tpu.sem_alloc : memref<!tpu.dma_semaphore, #tpu.memory_space<semaphore_mem>>
      %dma_start3A_33 = arith.constant 0 : i32
      %dma_start3A_34 = tpu.memref_slice %arg9[%mul3A_0, %dma_start3A_33] : memref<10008x128xf32, #tpu.memory_space<vmem_shared>> -> memref<625x128xf32, #tpu.memory_space<vmem_shared>>
      %dma_start3A_35 = arith.constant 0 : i32
      %dma_start3A_36 = tpu.memref_slice %arg2[%add3A, %dma_start3A_35] : memref<20000x128xf32, #tpu.memory_space<hbm>> -> memref<625x128xf32, #tpu.memory_space<hbm>>
      tpu.enqueue_dma source(%dma_start3A_36 : memref<625x128xf32, #tpu.memory_space<hbm>>) target(%dma_start3A_34 : memref<625x128xf32, #tpu.memory_space<vmem_shared>>) target_semaphore(%run_scoped3A : memref<!tpu.dma_semaphore, #tpu.memory_space<semaphore_mem>>)
      %dma_wait3A = arith.constant 0 : i32
      %dma_wait3A_37 = tpu.memref_slice %arg9[%mul3A_0, %dma_wait3A] : memref<10008x128xf32, #tpu.memory_space<vmem_shared>> -> memref<625x128xf32, #tpu.memory_space<vmem_shared>>
      %dma_wait3A_38 = arith.constant 0 : i32
      %dma_wait3A_39 = tpu.memref_slice %arg2[%add3A, %dma_wait3A_38] : memref<20000x128xf32, #tpu.memory_space<hbm>> -> memref<625x128xf32, #tpu.memory_space<hbm>>
      tpu.wait_dma2 semaphore(%run_scoped3A : memref<!tpu.dma_semaphore, #tpu.memory_space<semaphore_mem>>) src(%dma_wait3A_39 : memref<625x128xf32, #tpu.memory_space<hbm>>) dst(%dma_wait3A_37 : memref<625x128xf32, #tpu.memory_space<vmem_shared>>)
      tpu.yield
    }) : () -> ()
    %mul3A_3 = arith.constant 1600 : i32
    %mul3A_4 = arith.muli %arg0, %mul3A_3 : i32
    %mul3A_5 = arith.constant 100 : i32
    %mul3A_6 = arith.muli %arg1, %mul3A_5 : i32
    %add3A_7 = arith.addi %mul3A_4, %mul3A_6 : i32
    "tpu.region"() ({
      %run_scoped3A = tpu.sem_alloc : memref<!tpu.dma_semaphore, #tpu.memory_space<semaphore_mem>>
      %dma_start3A_33 = arith.constant 0 : i32
      %dma_start3A_34 = tpu.memref_slice %arg3[%add3A_7, %dma_start3A_33] : memref<3200x100xi32, #tpu.memory_space<hbm>> -> memref<100x100xi32, #tpu.memory_space<hbm>>
      %dma_start3A_35 = arith.constant 0 : i32
      %dma_start3A_36 = tpu.memref_slice %arg3[%add3A_7, %dma_start3A_35] : memref<3200x100xi32, #tpu.memory_space<hbm>> -> memref<100x100xi32, #tpu.memory_space<hbm>>
      tpu.enqueue_dma source(%dma_start3A_36 : memref<100x100xi32, #tpu.memory_space<hbm>>) target(%arg6 : memref<100x100xi32, #tpu.memory_space<vmem>>) target_semaphore(%run_scoped3A : memref<!tpu.dma_semaphore, #tpu.memory_space<semaphore_mem>>)
      %dma_wait3A = arith.constant 0 : i32
      %dma_wait3A_37 = tpu.memref_slice %arg3[%add3A_7, %dma_wait3A] : memref<3200x100xi32, #tpu.memory_space<hbm>> -> memref<100x100xi32, #tpu.memory_space<hbm>>
      %dma_wait3A_38 = arith.constant 0 : i32
      %dma_wait3A_39 = tpu.memref_slice %arg3[%add3A_7, %dma_wait3A_38] : memref<3200x100xi32, #tpu.memory_space<hbm>> -> memref<100x100xi32, #tpu.memory_space<hbm>>
      tpu.wait_dma2 semaphore(%run_scoped3A : memref<!tpu.dma_semaphore, #tpu.memory_space<semaphore_mem>>) src(%dma_wait3A_39 : memref<100x100xi32, #tpu.memory_space<hbm>>) dst(%arg6 : memref<100x100xi32, #tpu.memory_space<vmem>>)
      tpu.yield
    }) : () -> ()
    %mul3A_8 = arith.constant 100 : i32
    %mul3A_9 = arith.muli %arg1, %mul3A_8 : i32
    "tpu.region"() ({
      %run_scoped3A = tpu.sem_alloc : memref<!tpu.dma_semaphore, #tpu.memory_space<semaphore_mem>>
      %dma_start3A_33 = arith.constant 0 : i32
      %dma_start3A_34 = tpu.memref_slice %arg4[%mul3A_9, %dma_start3A_33] : memref<1600x100xi32, #tpu.memory_space<hbm>> -> memref<100x100xi32, #tpu.memory_space<hbm>>
      %dma_start3A_35 = arith.constant 0 : i32
      %dma_start3A_36 = tpu.memref_slice %arg4[%mul3A_9, %dma_start3A_35] : memref<1600x100xi32, #tpu.memory_space<hbm>> -> memref<100x100xi32, #tpu.memory_space<hbm>>
      tpu.enqueue_dma source(%dma_start3A_36 : memref<100x100xi32, #tpu.memory_space<hbm>>) target(%arg7 : memref<100x100xi32, #tpu.memory_space<vmem>>) target_semaphore(%run_scoped3A : memref<!tpu.dma_semaphore, #tpu.memory_space<semaphore_mem>>)
      %dma_wait3A = arith.constant 0 : i32
      %dma_wait3A_37 = tpu.memref_slice %arg4[%mul3A_9, %dma_wait3A] : memref<1600x100xi32, #tpu.memory_space<hbm>> -> memref<100x100xi32, #tpu.memory_space<hbm>>
      %dma_wait3A_38 = arith.constant 0 : i32
      %dma_wait3A_39 = tpu.memref_slice %arg4[%mul3A_9, %dma_wait3A_38] : memref<1600x100xi32, #tpu.memory_space<hbm>> -> memref<100x100xi32, #tpu.memory_space<hbm>>
      tpu.wait_dma2 semaphore(%run_scoped3A : memref<!tpu.dma_semaphore, #tpu.memory_space<semaphore_mem>>) src(%dma_wait3A_39 : memref<100x100xi32, #tpu.memory_space<hbm>>) dst(%arg7 : memref<100x100xi32, #tpu.memory_space<vmem>>)
      tpu.yield
    }) : () -> ()
    %dma_start3A = arith.constant 0 : i32
    %dma_start3A_10 = arith.constant 0 : i32
    %dma_start3A_11 = arith.constant 0 : i32
    %dma_start3A_12 = arith.constant 0 : i32
    %dma_start3A_13 = arith.constant 0 : i32
    %dma_start3A_14 = tpu.memref_slice %arg8[%dma_start3A_10, %dma_start3A_12, %dma_start3A_13] : memref<2x100x128xf32, #tpu.memory_space<vmem>> -> memref<1x100x128xf32, #tpu.memory_space<vmem>>
    %dma_start3A_15 = tpu.memref_squeeze %dma_start3A_14 : memref<1x100x128xf32, #tpu.memory_space<vmem>> -> memref<100x128xf32, #tpu.memory_space<vmem>>
    %dma_start3A_16 = arith.constant 0 : i32
    %dma_start3A_17 = tpu.memref_slice %arg6[%dma_start3A, %dma_start3A_16] : memref<100x100xi32, #tpu.memory_space<vmem>> -> memref<1x100xi32, #tpu.memory_space<vmem>>
    %dma_start3A_18 = tpu.memref_squeeze %dma_start3A_17 : memref<1x100xi32, #tpu.memory_space<vmem>> -> memref<100xi32, #tpu.memory_space<vmem>>
    %dma_start3A_19 = arith.constant 0 : i32
    %dma_start3A_20 = arith.constant 0 : i32
    %dma_start3A_21 = tpu.memref_slice %arg2[%dma_start3A_19, %dma_start3A_20] : memref<20000x128xf32, #tpu.memory_space<hbm>> -> memref<20000x128xf32, #tpu.memory_space<hbm>>
    %dma_start3A_22 = tpu.memref_slice %arg10[%dma_start3A_11] : memref<2x!tpu.dma_semaphore, #tpu.memory_space<semaphore_mem>> -> memref<1x!tpu.dma_semaphore, #tpu.memory_space<semaphore_mem>>
    %dma_start3A_23 = tpu.memref_squeeze %dma_start3A_22 : memref<1x!tpu.dma_semaphore, #tpu.memory_space<semaphore_mem>> -> memref<!tpu.dma_semaphore, #tpu.memory_space<semaphore_mem>>
    tpu.enqueue_indirect_dma source(%dma_start3A_21 : memref<20000x128xf32, #tpu.memory_space<hbm>>) target(%dma_start3A_15 : memref<100x128xf32, #tpu.memory_space<vmem>>) offsets(%dma_start3A_18 : memref<100xi32, #tpu.memory_space<vmem>>) semaphore(%dma_start3A_23 : memref<!tpu.dma_semaphore, #tpu.memory_space<semaphore_mem>>)
    %barrier3A = arith.constant 0 : index
    tpu.barrier barrier_id(%barrier3A)
    %scan3A = arith.constant 0 : i32
    %scan3A_24 = arith.constant 0 : i32
    %scan3A_25 = arith.constant 50 : i32
    %scan3A_26 = arith.addi %scan3A_24, %scan3A_25 : i32
    %scan3A_27 = arith.constant 1 : i32
    scf.for %scan3A_33 = %scan3A_24 to %scan3A_26 step %scan3A_27  : i32 {
      %mul3A_34 = arith.constant 2 : i32
      %mul3A_35 = arith.muli %scan3A_33, %mul3A_34 : i32
      %add3A_36 = arith.constant 1 : i32
      %add3A_37 = arith.addi %mul3A_35, %add3A_36 : i32
      %dma_start3A_38 = arith.constant 1 : i32
      %dma_start3A_39 = arith.constant 1 : i32
      %dma_start3A_40 = arith.constant 0 : i32
      %dma_start3A_41 = arith.constant 0 : i32
      %dma_start3A_42 = tpu.memref_slice %arg8[%dma_start3A_38, %dma_start3A_40, %dma_start3A_41] : memref<2x100x128xf32, #tpu.memory_space<vmem>> -> memref<1x100x128xf32, #tpu.memory_space<vmem>>
      %dma_start3A_43 = tpu.memref_squeeze %dma_start3A_42 : memref<1x100x128xf32, #tpu.memory_space<vmem>> -> memref<100x128xf32, #tpu.memory_space<vmem>>
      %dma_start3A_44 = arith.constant 0 : i32
      %dma_start3A_45 = tpu.memref_slice %arg6[%add3A_37, %dma_start3A_44] : memref<100x100xi32, #tpu.memory_space<vmem>> -> memref<1x100xi32, #tpu.memory_space<vmem>>
      %dma_start3A_46 = tpu.memref_squeeze %dma_start3A_45 : memref<1x100xi32, #tpu.memory_space<vmem>> -> memref<100xi32, #tpu.memory_space<vmem>>
      %dma_start3A_47 = arith.constant 0 : i32
      %dma_start3A_48 = arith.constant 0 : i32
      %dma_start3A_49 = tpu.memref_slice %arg2[%dma_start3A_47, %dma_start3A_48] : memref<20000x128xf32, #tpu.memory_space<hbm>> -> memref<20000x128xf32, #tpu.memory_space<hbm>>
      %dma_start3A_50 = tpu.memref_slice %arg10[%dma_start3A_39] : memref<2x!tpu.dma_semaphore, #tpu.memory_space<semaphore_mem>> -> memref<1x!tpu.dma_semaphore, #tpu.memory_space<semaphore_mem>>
      %dma_start3A_51 = tpu.memref_squeeze %dma_start3A_50 : memref<1x!tpu.dma_semaphore, #tpu.memory_space<semaphore_mem>> -> memref<!tpu.dma_semaphore, #tpu.memory_space<semaphore_mem>>
      tpu.enqueue_indirect_dma source(%dma_start3A_49 : memref<20000x128xf32, #tpu.memory_space<hbm>>) target(%dma_start3A_43 : memref<100x128xf32, #tpu.memory_space<vmem>>) offsets(%dma_start3A_46 : memref<100xi32, #tpu.memory_space<vmem>>) semaphore(%dma_start3A_51 : memref<!tpu.dma_semaphore, #tpu.memory_space<semaphore_mem>>)
      %dma_wait3A = arith.constant 0 : i32
      %dma_wait3A_52 = arith.constant 0 : i32
      %dma_wait3A_53 = arith.constant 0 : i32
      %dma_wait3A_54 = arith.constant 0 : i32
      %dma_wait3A_55 = arith.constant 0 : i32
      %dma_wait3A_56 = tpu.memref_slice %arg8[%dma_wait3A_52, %dma_wait3A_54, %dma_wait3A_55] : memref<2x100x128xf32, #tpu.memory_space<vmem>> -> memref<1x100x128xf32, #tpu.memory_space<vmem>>
      %dma_wait3A_57 = tpu.memref_squeeze %dma_wait3A_56 : memref<1x100x128xf32, #tpu.memory_space<vmem>> -> memref<100x128xf32, #tpu.memory_space<vmem>>
      %dma_wait3A_58 = arith.constant 0 : i32
      %dma_wait3A_59 = tpu.memref_slice %arg6[%dma_wait3A, %dma_wait3A_58] : memref<100x100xi32, #tpu.memory_space<vmem>> -> memref<1x100xi32, #tpu.memory_space<vmem>>
      %dma_wait3A_60 = tpu.memref_squeeze %dma_wait3A_59 : memref<1x100xi32, #tpu.memory_space<vmem>> -> memref<100xi32, #tpu.memory_space<vmem>>
      %dma_wait3A_61 = arith.constant 0 : i32
      %dma_wait3A_62 = arith.constant 0 : i32
      %dma_wait3A_63 = tpu.memref_slice %arg2[%dma_wait3A_61, %dma_wait3A_62] : memref<20000x128xf32, #tpu.memory_space<hbm>> -> memref<20000x128xf32, #tpu.memory_space<hbm>>
      %dma_wait3A_64 = tpu.memref_slice %arg10[%dma_wait3A_53] : memref<2x!tpu.dma_semaphore, #tpu.memory_space<semaphore_mem>> -> memref<1x!tpu.dma_semaphore, #tpu.memory_space<semaphore_mem>>
      %dma_wait3A_65 = tpu.memref_squeeze %dma_wait3A_64 : memref<1x!tpu.dma_semaphore, #tpu.memory_space<semaphore_mem>> -> memref<!tpu.dma_semaphore, #tpu.memory_space<semaphore_mem>>
      tpu.wait_indirect_dma semaphore(%dma_wait3A_65 : memref<!tpu.dma_semaphore, #tpu.memory_space<semaphore_mem>>) src(%dma_wait3A_63 : memref<20000x128xf32, #tpu.memory_space<hbm>>) dst(%dma_wait3A_57 : memref<100x128xf32, #tpu.memory_space<vmem>>)
      %run_scoped3A = arith.constant 0 : i32
      "tpu.region"() ({
        %run_scoped3A_86 = tpu.sem_alloc : memref<!tpu.dma_semaphore, #tpu.memory_space<semaphore_mem>>
        %dma_start3A_87 = arith.constant 0 : i32
        %dma_start3A_88 = arith.constant 0 : i32
        %dma_start3A_89 = tpu.memref_slice %arg8[%run_scoped3A, %dma_start3A_87, %dma_start3A_88] : memref<2x100x128xf32, #tpu.memory_space<vmem>> -> memref<1x100x128xf32, #tpu.memory_space<vmem>>
        %dma_start3A_90 = tpu.memref_squeeze %dma_start3A_89 : memref<1x100x128xf32, #tpu.memory_space<vmem>> -> memref<100x128xf32, #tpu.memory_space<vmem>>
        %dma_start3A_91 = arith.constant 0 : i32
        %dma_start3A_92 = tpu.memref_slice %arg7[%mul3A_35, %dma_start3A_91] : memref<100x100xi32, #tpu.memory_space<vmem>> -> memref<1x100xi32, #tpu.memory_space<vmem>>
        %dma_start3A_93 = tpu.memref_squeeze %dma_start3A_92 : memref<1x100xi32, #tpu.memory_space<vmem>> -> memref<100xi32, #tpu.memory_space<vmem>>
        %dma_start3A_94 = arith.constant 0 : i32
        %dma_start3A_95 = arith.constant 0 : i32
        %dma_start3A_96 = tpu.memref_slice %arg9[%dma_start3A_94, %dma_start3A_95] : memref<10008x128xf32, #tpu.memory_space<vmem_shared>> -> memref<10008x128xf32, #tpu.memory_space<vmem_shared>>
        tpu.enqueue_indirect_dma source(%dma_start3A_90 : memref<100x128xf32, #tpu.memory_space<vmem>>) target(%dma_start3A_96 : memref<10008x128xf32, #tpu.memory_space<vmem_shared>>) offsets(%dma_start3A_93 : memref<100xi32, #tpu.memory_space<vmem>>) semaphore(%run_scoped3A_86 : memref<!tpu.dma_semaphore, #tpu.memory_space<semaphore_mem>>) {add = true}
        %dma_wait3A_97 = arith.constant 0 : i32
        %dma_wait3A_98 = arith.constant 0 : i32
        %dma_wait3A_99 = tpu.memref_slice %arg8[%run_scoped3A, %dma_wait3A_97, %dma_wait3A_98] : memref<2x100x128xf32, #tpu.memory_space<vmem>> -> memref<1x100x128xf32, #tpu.memory_space<vmem>>
        %dma_wait3A_100 = tpu.memref_squeeze %dma_wait3A_99 : memref<1x100x128xf32, #tpu.memory_space<vmem>> -> memref<100x128xf32, #tpu.memory_space<vmem>>
        %dma_wait3A_101 = arith.constant 0 : i32
        %dma_wait3A_102 = tpu.memref_slice %arg7[%mul3A_35, %dma_wait3A_101] : memref<100x100xi32, #tpu.memory_space<vmem>> -> memref<1x100xi32, #tpu.memory_space<vmem>>
        %dma_wait3A_103 = tpu.memref_squeeze %dma_wait3A_102 : memref<1x100xi32, #tpu.memory_space<vmem>> -> memref<100xi32, #tpu.memory_space<vmem>>
        %dma_wait3A_104 = arith.constant 0 : i32
        %dma_wait3A_105 = arith.constant 0 : i32
        %dma_wait3A_106 = tpu.memref_slice %arg9[%dma_wait3A_104, %dma_wait3A_105] : memref<10008x128xf32, #tpu.memory_space<vmem_shared>> -> memref<10008x128xf32, #tpu.memory_space<vmem_shared>>
        tpu.wait_indirect_dma semaphore(%run_scoped3A_86 : memref<!tpu.dma_semaphore, #tpu.memory_space<semaphore_mem>>) src(%dma_wait3A_100 : memref<100x128xf32, #tpu.memory_space<vmem>>) dst(%dma_wait3A_106 : memref<10008x128xf32, #tpu.memory_space<vmem_shared>>)
        tpu.yield
      }) : () -> ()
      %lt3A = arith.constant 49 : i32
      %lt3A_66 = arith.cmpi slt, %scan3A_33, %lt3A : i32
      %convert_element_type3A = arith.extui %lt3A_66 : i1 to i32
      %cond3A = arith.constant 0 : i32
      %cond3A_67 = arith.cmpi ne, %convert_element_type3A, %cond3A : i32
      scf.if %cond3A_67 {
        %add3A_86 = arith.constant 2 : i32
        %add3A_87 = arith.addi %mul3A_35, %add3A_86 : i32
        %dma_start3A_88 = arith.constant 0 : i32
        %dma_start3A_89 = arith.constant 0 : i32
        %dma_start3A_90 = arith.constant 0 : i32
        %dma_start3A_91 = arith.constant 0 : i32
        %dma_start3A_92 = tpu.memref_slice %arg8[%dma_start3A_88, %dma_start3A_90, %dma_start3A_91] : memref<2x100x128xf32, #tpu.memory_space<vmem>> -> memref<1x100x128xf32, #tpu.memory_space<vmem>>
        %dma_start3A_93 = tpu.memref_squeeze %dma_start3A_92 : memref<1x100x128xf32, #tpu.memory_space<vmem>> -> memref<100x128xf32, #tpu.memory_space<vmem>>
        %dma_start3A_94 = arith.constant 0 : i32
        %dma_start3A_95 = tpu.memref_slice %arg6[%add3A_87, %dma_start3A_94] : memref<100x100xi32, #tpu.memory_space<vmem>> -> memref<1x100xi32, #tpu.memory_space<vmem>>
        %dma_start3A_96 = tpu.memref_squeeze %dma_start3A_95 : memref<1x100xi32, #tpu.memory_space<vmem>> -> memref<100xi32, #tpu.memory_space<vmem>>
        %dma_start3A_97 = arith.constant 0 : i32
        %dma_start3A_98 = arith.constant 0 : i32
        %dma_start3A_99 = tpu.memref_slice %arg2[%dma_start3A_97, %dma_start3A_98] : memref<20000x128xf32, #tpu.memory_space<hbm>> -> memref<20000x128xf32, #tpu.memory_space<hbm>>
        %dma_start3A_100 = tpu.memref_slice %arg10[%dma_start3A_89] : memref<2x!tpu.dma_semaphore, #tpu.memory_space<semaphore_mem>> -> memref<1x!tpu.dma_semaphore, #tpu.memory_space<semaphore_mem>>
        %dma_start3A_101 = tpu.memref_squeeze %dma_start3A_100 : memref<1x!tpu.dma_semaphore, #tpu.memory_space<semaphore_mem>> -> memref<!tpu.dma_semaphore, #tpu.memory_space<semaphore_mem>>
        tpu.enqueue_indirect_dma source(%dma_start3A_99 : memref<20000x128xf32, #tpu.memory_space<hbm>>) target(%dma_start3A_93 : memref<100x128xf32, #tpu.memory_space<vmem>>) offsets(%dma_start3A_96 : memref<100xi32, #tpu.memory_space<vmem>>) semaphore(%dma_start3A_101 : memref<!tpu.dma_semaphore, #tpu.memory_space<semaphore_mem>>)
      } else {
      }
      %add3A_68 = arith.constant 1 : i32
      %add3A_69 = arith.addi %mul3A_35, %add3A_68 : i32
      %dma_wait3A_70 = arith.constant 0 : i32
      %dma_wait3A_71 = arith.constant 1 : i32
      %dma_wait3A_72 = arith.constant 1 : i32
      %dma_wait3A_73 = arith.constant 0 : i32
      %dma_wait3A_74 = arith.constant 0 : i32
      %dma_wait3A_75 = tpu.memref_slice %arg8[%dma_wait3A_71, %dma_wait3A_73, %dma_wait3A_74] : memref<2x100x128xf32, #tpu.memory_space<vmem>> -> memref<1x100x128xf32, #tpu.memory_space<vmem>>
      %dma_wait3A_76 = tpu.memref_squeeze %dma_wait3A_75 : memref<1x100x128xf32, #tpu.memory_space<vmem>> -> memref<100x128xf32, #tpu.memory_space<vmem>>
      %dma_wait3A_77 = arith.constant 0 : i32
      %dma_wait3A_78 = tpu.memref_slice %arg6[%dma_wait3A_70, %dma_wait3A_77] : memref<100x100xi32, #tpu.memory_space<vmem>> -> memref<1x100xi32, #tpu.memory_space<vmem>>
      %dma_wait3A_79 = tpu.memref_squeeze %dma_wait3A_78 : memref<1x100xi32, #tpu.memory_space<vmem>> -> memref<100xi32, #tpu.memory_space<vmem>>
      %dma_wait3A_80 = arith.constant 0 : i32
      %dma_wait3A_81 = arith.constant 0 : i32
      %dma_wait3A_82 = tpu.memref_slice %arg2[%dma_wait3A_80, %dma_wait3A_81] : memref<20000x128xf32, #tpu.memory_space<hbm>> -> memref<20000x128xf32, #tpu.memory_space<hbm>>
      %dma_wait3A_83 = tpu.memref_slice %arg10[%dma_wait3A_72] : memref<2x!tpu.dma_semaphore, #tpu.memory_space<semaphore_mem>> -> memref<1x!tpu.dma_semaphore, #tpu.memory_space<semaphore_mem>>
      %dma_wait3A_84 = tpu.memref_squeeze %dma_wait3A_83 : memref<1x!tpu.dma_semaphore, #tpu.memory_space<semaphore_mem>> -> memref<!tpu.dma_semaphore, #tpu.memory_space<semaphore_mem>>
      tpu.wait_indirect_dma semaphore(%dma_wait3A_84 : memref<!tpu.dma_semaphore, #tpu.memory_space<semaphore_mem>>) src(%dma_wait3A_82 : memref<20000x128xf32, #tpu.memory_space<hbm>>) dst(%dma_wait3A_76 : memref<100x128xf32, #tpu.memory_space<vmem>>)
      %run_scoped3A_85 = arith.constant 1 : i32
      "tpu.region"() ({
        %run_scoped3A_86 = tpu.sem_alloc : memref<!tpu.dma_semaphore, #tpu.memory_space<semaphore_mem>>
        %dma_start3A_87 = arith.constant 0 : i32
        %dma_start3A_88 = arith.constant 0 : i32
        %dma_start3A_89 = tpu.memref_slice %arg8[%run_scoped3A_85, %dma_start3A_87, %dma_start3A_88] : memref<2x100x128xf32, #tpu.memory_space<vmem>> -> memref<1x100x128xf32, #tpu.memory_space<vmem>>
        %dma_start3A_90 = tpu.memref_squeeze %dma_start3A_89 : memref<1x100x128xf32, #tpu.memory_space<vmem>> -> memref<100x128xf32, #tpu.memory_space<vmem>>
        %dma_start3A_91 = arith.constant 0 : i32
        %dma_start3A_92 = tpu.memref_slice %arg7[%add3A_69, %dma_start3A_91] : memref<100x100xi32, #tpu.memory_space<vmem>> -> memref<1x100xi32, #tpu.memory_space<vmem>>
        %dma_start3A_93 = tpu.memref_squeeze %dma_start3A_92 : memref<1x100xi32, #tpu.memory_space<vmem>> -> memref<100xi32, #tpu.memory_space<vmem>>
        %dma_start3A_94 = arith.constant 0 : i32
        %dma_start3A_95 = arith.constant 0 : i32
        %dma_start3A_96 = tpu.memref_slice %arg9[%dma_start3A_94, %dma_start3A_95] : memref<10008x128xf32, #tpu.memory_space<vmem_shared>> -> memref<10008x128xf32, #tpu.memory_space<vmem_shared>>
        tpu.enqueue_indirect_dma source(%dma_start3A_90 : memref<100x128xf32, #tpu.memory_space<vmem>>) target(%dma_start3A_96 : memref<10008x128xf32, #tpu.memory_space<vmem_shared>>) offsets(%dma_start3A_93 : memref<100xi32, #tpu.memory_space<vmem>>) semaphore(%run_scoped3A_86 : memref<!tpu.dma_semaphore, #tpu.memory_space<semaphore_mem>>) {add = true}
        %dma_wait3A_97 = arith.constant 0 : i32
        %dma_wait3A_98 = arith.constant 0 : i32
        %dma_wait3A_99 = tpu.memref_slice %arg8[%run_scoped3A_85, %dma_wait3A_97, %dma_wait3A_98] : memref<2x100x128xf32, #tpu.memory_space<vmem>> -> memref<1x100x128xf32, #tpu.memory_space<vmem>>
        %dma_wait3A_100 = tpu.memref_squeeze %dma_wait3A_99 : memref<1x100x128xf32, #tpu.memory_space<vmem>> -> memref<100x128xf32, #tpu.memory_space<vmem>>
        %dma_wait3A_101 = arith.constant 0 : i32
        %dma_wait3A_102 = tpu.memref_slice %arg7[%add3A_69, %dma_wait3A_101] : memref<100x100xi32, #tpu.memory_space<vmem>> -> memref<1x100xi32, #tpu.memory_space<vmem>>
        %dma_wait3A_103 = tpu.memref_squeeze %dma_wait3A_102 : memref<1x100xi32, #tpu.memory_space<vmem>> -> memref<100xi32, #tpu.memory_space<vmem>>
        %dma_wait3A_104 = arith.constant 0 : i32
        %dma_wait3A_105 = arith.constant 0 : i32
        %dma_wait3A_106 = tpu.memref_slice %arg9[%dma_wait3A_104, %dma_wait3A_105] : memref<10008x128xf32, #tpu.memory_space<vmem_shared>> -> memref<10008x128xf32, #tpu.memory_space<vmem_shared>>
        tpu.wait_indirect_dma semaphore(%run_scoped3A_86 : memref<!tpu.dma_semaphore, #tpu.memory_space<semaphore_mem>>) src(%dma_wait3A_100 : memref<100x128xf32, #tpu.memory_space<vmem>>) dst(%dma_wait3A_106 : memref<10008x128xf32, #tpu.memory_space<vmem_shared>>)
        tpu.yield
      }) : () -> ()
    }
    %scan3A_28 = arith.constant 50 : i32
    %barrier3A_29 = arith.constant 0 : index
    tpu.barrier barrier_id(%barrier3A_29)
    %mul3A_30 = arith.constant 10000 : i32
    %mul3A_31 = arith.muli %arg0, %mul3A_30 : i32
    %add3A_32 = arith.addi %mul3A_31, %mul3A_0 : i32
    "tpu.region"() ({
      %run_scoped3A = tpu.sem_alloc : memref<!tpu.dma_semaphore, #tpu.memory_space<semaphore_mem>>
      %dma_start3A_33 = arith.constant 0 : i32
      %dma_start3A_34 = tpu.memref_slice %arg5[%add3A_32, %dma_start3A_33] : memref<20000x128xf32, #tpu.memory_space<hbm>> -> memref<625x128xf32, #tpu.memory_space<hbm>>
      %dma_start3A_35 = arith.constant 0 : i32
      %dma_start3A_36 = tpu.memref_slice %arg9[%mul3A_0, %dma_start3A_35] : memref<10008x128xf32, #tpu.memory_space<vmem_shared>> -> memref<625x128xf32, #tpu.memory_space<vmem_shared>>
      tpu.enqueue_dma source(%dma_start3A_36 : memref<625x128xf32, #tpu.memory_space<vmem_shared>>) target(%dma_start3A_34 : memref<625x128xf32, #tpu.memory_space<hbm>>) target_semaphore(%run_scoped3A : memref<!tpu.dma_semaphore, #tpu.memory_space<semaphore_mem>>)
      %dma_wait3A = arith.constant 0 : i32
      %dma_wait3A_37 = tpu.memref_slice %arg5[%add3A_32, %dma_wait3A] : memref<20000x128xf32, #tpu.memory_space<hbm>> -> memref<625x128xf32, #tpu.memory_space<hbm>>
      %dma_wait3A_38 = arith.constant 0 : i32
      %dma_wait3A_39 = tpu.memref_slice %arg9[%mul3A_0, %dma_wait3A_38] : memref<10008x128xf32, #tpu.memory_space<vmem_shared>> -> memref<625x128xf32, #tpu.memory_space<vmem_shared>>
      tpu.wait_dma2 semaphore(%run_scoped3A : memref<!tpu.dma_semaphore, #tpu.memory_space<semaphore_mem>>) src(%dma_wait3A_39 : memref<625x128xf32, #tpu.memory_space<vmem_shared>>) dst(%dma_wait3A_37 : memref<625x128xf32, #tpu.memory_space<hbm>>)
      tpu.yield
    }) : () -> ()
    return
  }
}

#map = affine_map<(d0, d1) -> (0, 0)>
module attributes {stable_mosaic.version = 14 : i64} {
  func.func @_agg_body(%arg0: i32, %arg1: i32, %arg2: memref<20000x128xf32, #tpu.memory_space<hbm>>, %arg3: memref<3200x100xi32, #tpu.memory_space<hbm>>, %arg4: memref<1600x100xi32, #tpu.memory_space<hbm>>, %arg5: memref<20000x128xf32, #tpu.memory_space<hbm>>, %arg6: memref<100x100xi32, #tpu.memory_space<vmem>>, %arg7: memref<100x100xi32, #tpu.memory_space<vmem>>, %arg8: memref<2x100x128xf32, #tpu.memory_space<vmem>>, %arg9: memref<10008x128xf32, #tpu.memory_space<vmem_shared>>, %arg10: memref<2x!tpu.dma_semaphore, #tpu.memory_space<semaphore_mem>>) attributes {dimension_semantics = [#tpu.dimension_semantics<core_parallel>, #tpu.dimension_semantics<subcore_parallel>], iteration_bounds = array<i64: 2, 16>, scalar_prefetch = 0 : i64, scratch_operands = 5 : i64, tpu.core_type = #tpu.core_type<sc_vector_subcore>, window_params = [{transform_indices = #map}, {transform_indices = #map}, {transform_indices = #map}, {transform_indices = #map}]} {
    %mul3A = arith.constant 625 : i32
    %mul3A_0 = arith.muli %arg1, %mul3A : i32
    %mul3A_1 = arith.constant 10000 : i32
    %mul3A_2 = arith.muli %arg0, %mul3A_1 : i32
    %add3A = arith.addi %mul3A_2, %mul3A_0 : i32
    "tpu.region"() ({
      %run_scoped3A = tpu.sem_alloc : memref<!tpu.dma_semaphore, #tpu.memory_space<semaphore_mem>>
      %dma_start3A_33 = arith.constant 0 : i32
      %dma_start3A_34 = tpu.memref_slice %arg9[%mul3A_0, %dma_start3A_33] : memref<10008x128xf32, #tpu.memory_space<vmem_shared>> -> memref<625x128xf32, #tpu.memory_space<vmem_shared>>
      %dma_start3A_35 = arith.constant 0 : i32
      %dma_start3A_36 = tpu.memref_slice %arg2[%add3A, %dma_start3A_35] : memref<20000x128xf32, #tpu.memory_space<hbm>> -> memref<625x128xf32, #tpu.memory_space<hbm>>
      tpu.enqueue_dma source(%dma_start3A_36 : memref<625x128xf32, #tpu.memory_space<hbm>>) target(%dma_start3A_34 : memref<625x128xf32, #tpu.memory_space<vmem_shared>>) target_semaphore(%run_scoped3A : memref<!tpu.dma_semaphore, #tpu.memory_space<semaphore_mem>>)
      %dma_wait3A = arith.constant 0 : i32
      %dma_wait3A_37 = tpu.memref_slice %arg9[%mul3A_0, %dma_wait3A] : memref<10008x128xf32, #tpu.memory_space<vmem_shared>> -> memref<625x128xf32, #tpu.memory_space<vmem_shared>>
      %dma_wait3A_38 = arith.constant 0 : i32
      %dma_wait3A_39 = tpu.memref_slice %arg2[%add3A, %dma_wait3A_38] : memref<20000x128xf32, #tpu.memory_space<hbm>> -> memref<625x128xf32, #tpu.memory_space<hbm>>
      tpu.wait_dma2 semaphore(%run_scoped3A : memref<!tpu.dma_semaphore, #tpu.memory_space<semaphore_mem>>) src(%dma_wait3A_39 : memref<625x128xf32, #tpu.memory_space<hbm>>) dst(%dma_wait3A_37 : memref<625x128xf32, #tpu.memory_space<vmem_shared>>)
      tpu.yield
    }) : () -> ()
    %mul3A_3 = arith.constant 1600 : i32
    %mul3A_4 = arith.muli %arg0, %mul3A_3 : i32
    %mul3A_5 = arith.constant 100 : i32
    %mul3A_6 = arith.muli %arg1, %mul3A_5 : i32
    %add3A_7 = arith.addi %mul3A_4, %mul3A_6 : i32
    "tpu.region"() ({
      %run_scoped3A = tpu.sem_alloc : memref<!tpu.dma_semaphore, #tpu.memory_space<semaphore_mem>>
      %dma_start3A_33 = arith.constant 0 : i32
      %dma_start3A_34 = tpu.memref_slice %arg3[%add3A_7, %dma_start3A_33] : memref<3200x100xi32, #tpu.memory_space<hbm>> -> memref<100x100xi32, #tpu.memory_space<hbm>>
      %dma_start3A_35 = arith.constant 0 : i32
      %dma_start3A_36 = tpu.memref_slice %arg3[%add3A_7, %dma_start3A_35] : memref<3200x100xi32, #tpu.memory_space<hbm>> -> memref<100x100xi32, #tpu.memory_space<hbm>>
      tpu.enqueue_dma source(%dma_start3A_36 : memref<100x100xi32, #tpu.memory_space<hbm>>) target(%arg6 : memref<100x100xi32, #tpu.memory_space<vmem>>) target_semaphore(%run_scoped3A : memref<!tpu.dma_semaphore, #tpu.memory_space<semaphore_mem>>)
      %dma_wait3A = arith.constant 0 : i32
      %dma_wait3A_37 = tpu.memref_slice %arg3[%add3A_7, %dma_wait3A] : memref<3200x100xi32, #tpu.memory_space<hbm>> -> memref<100x100xi32, #tpu.memory_space<hbm>>
      %dma_wait3A_38 = arith.constant 0 : i32
      %dma_wait3A_39 = tpu.memref_slice %arg3[%add3A_7, %dma_wait3A_38] : memref<3200x100xi32, #tpu.memory_space<hbm>> -> memref<100x100xi32, #tpu.memory_space<hbm>>
      tpu.wait_dma2 semaphore(%run_scoped3A : memref<!tpu.dma_semaphore, #tpu.memory_space<semaphore_mem>>) src(%dma_wait3A_39 : memref<100x100xi32, #tpu.memory_space<hbm>>) dst(%arg6 : memref<100x100xi32, #tpu.memory_space<vmem>>)
      tpu.yield
    }) : () -> ()
    %mul3A_8 = arith.constant 100 : i32
    %mul3A_9 = arith.muli %arg1, %mul3A_8 : i32
    "tpu.region"() ({
      %run_scoped3A = tpu.sem_alloc : memref<!tpu.dma_semaphore, #tpu.memory_space<semaphore_mem>>
      %dma_start3A_33 = arith.constant 0 : i32
      %dma_start3A_34 = tpu.memref_slice %arg4[%mul3A_9, %dma_start3A_33] : memref<1600x100xi32, #tpu.memory_space<hbm>> -> memref<100x100xi32, #tpu.memory_space<hbm>>
      %dma_start3A_35 = arith.constant 0 : i32
      %dma_start3A_36 = tpu.memref_slice %arg4[%mul3A_9, %dma_start3A_35] : memref<1600x100xi32, #tpu.memory_space<hbm>> -> memref<100x100xi32, #tpu.memory_space<hbm>>
      tpu.enqueue_dma source(%dma_start3A_36 : memref<100x100xi32, #tpu.memory_space<hbm>>) target(%arg7 : memref<100x100xi32, #tpu.memory_space<vmem>>) target_semaphore(%run_scoped3A : memref<!tpu.dma_semaphore, #tpu.memory_space<semaphore_mem>>)
      %dma_wait3A = arith.constant 0 : i32
      %dma_wait3A_37 = tpu.memref_slice %arg4[%mul3A_9, %dma_wait3A] : memref<1600x100xi32, #tpu.memory_space<hbm>> -> memref<100x100xi32, #tpu.memory_space<hbm>>
      %dma_wait3A_38 = arith.constant 0 : i32
      %dma_wait3A_39 = tpu.memref_slice %arg4[%mul3A_9, %dma_wait3A_38] : memref<1600x100xi32, #tpu.memory_space<hbm>> -> memref<100x100xi32, #tpu.memory_space<hbm>>
      tpu.wait_dma2 semaphore(%run_scoped3A : memref<!tpu.dma_semaphore, #tpu.memory_space<semaphore_mem>>) src(%dma_wait3A_39 : memref<100x100xi32, #tpu.memory_space<hbm>>) dst(%arg7 : memref<100x100xi32, #tpu.memory_space<vmem>>)
      tpu.yield
    }) : () -> ()
    %dma_start3A = arith.constant 0 : i32
    %dma_start3A_10 = arith.constant 0 : i32
    %dma_start3A_11 = arith.constant 0 : i32
    %dma_start3A_12 = arith.constant 0 : i32
    %dma_start3A_13 = arith.constant 0 : i32
    %dma_start3A_14 = tpu.memref_slice %arg8[%dma_start3A_10, %dma_start3A_12, %dma_start3A_13] : memref<2x100x128xf32, #tpu.memory_space<vmem>> -> memref<1x100x128xf32, #tpu.memory_space<vmem>>
    %dma_start3A_15 = tpu.memref_squeeze %dma_start3A_14 : memref<1x100x128xf32, #tpu.memory_space<vmem>> -> memref<100x128xf32, #tpu.memory_space<vmem>>
    %dma_start3A_16 = arith.constant 0 : i32
    %dma_start3A_17 = tpu.memref_slice %arg6[%dma_start3A, %dma_start3A_16] : memref<100x100xi32, #tpu.memory_space<vmem>> -> memref<1x100xi32, #tpu.memory_space<vmem>>
    %dma_start3A_18 = tpu.memref_squeeze %dma_start3A_17 : memref<1x100xi32, #tpu.memory_space<vmem>> -> memref<100xi32, #tpu.memory_space<vmem>>
    %dma_start3A_19 = arith.constant 0 : i32
    %dma_start3A_20 = arith.constant 0 : i32
    %dma_start3A_21 = tpu.memref_slice %arg2[%dma_start3A_19, %dma_start3A_20] : memref<20000x128xf32, #tpu.memory_space<hbm>> -> memref<20000x128xf32, #tpu.memory_space<hbm>>
    %dma_start3A_22 = tpu.memref_slice %arg10[%dma_start3A_11] : memref<2x!tpu.dma_semaphore, #tpu.memory_space<semaphore_mem>> -> memref<1x!tpu.dma_semaphore, #tpu.memory_space<semaphore_mem>>
    %dma_start3A_23 = tpu.memref_squeeze %dma_start3A_22 : memref<1x!tpu.dma_semaphore, #tpu.memory_space<semaphore_mem>> -> memref<!tpu.dma_semaphore, #tpu.memory_space<semaphore_mem>>
    tpu.enqueue_indirect_dma source(%dma_start3A_21 : memref<20000x128xf32, #tpu.memory_space<hbm>>) target(%dma_start3A_15 : memref<100x128xf32, #tpu.memory_space<vmem>>) offsets(%dma_start3A_18 : memref<100xi32, #tpu.memory_space<vmem>>) semaphore(%dma_start3A_23 : memref<!tpu.dma_semaphore, #tpu.memory_space<semaphore_mem>>)
    %barrier3A = arith.constant 0 : index
    tpu.barrier barrier_id(%barrier3A)
    %scan3A = arith.constant 0 : i32
    %scan3A_24 = arith.constant 0 : i32
    %scan3A_25 = arith.constant 50 : i32
    %scan3A_26 = arith.addi %scan3A_24, %scan3A_25 : i32
    %scan3A_27 = arith.constant 1 : i32
    scf.for %scan3A_33 = %scan3A_24 to %scan3A_26 step %scan3A_27  : i32 {
      %mul3A_34 = arith.constant 2 : i32
      %mul3A_35 = arith.muli %scan3A_33, %mul3A_34 : i32
      %add3A_36 = arith.constant 1 : i32
      %add3A_37 = arith.addi %mul3A_35, %add3A_36 : i32
      %dma_start3A_38 = arith.constant 1 : i32
      %dma_start3A_39 = arith.constant 1 : i32
      %dma_start3A_40 = arith.constant 0 : i32
      %dma_start3A_41 = arith.constant 0 : i32
      %dma_start3A_42 = tpu.memref_slice %arg8[%dma_start3A_38, %dma_start3A_40, %dma_start3A_41] : memref<2x100x128xf32, #tpu.memory_space<vmem>> -> memref<1x100x128xf32, #tpu.memory_space<vmem>>
      %dma_start3A_43 = tpu.memref_squeeze %dma_start3A_42 : memref<1x100x128xf32, #tpu.memory_space<vmem>> -> memref<100x128xf32, #tpu.memory_space<vmem>>
      %dma_start3A_44 = arith.constant 0 : i32
      %dma_start3A_45 = tpu.memref_slice %arg6[%add3A_37, %dma_start3A_44] : memref<100x100xi32, #tpu.memory_space<vmem>> -> memref<1x100xi32, #tpu.memory_space<vmem>>
      %dma_start3A_46 = tpu.memref_squeeze %dma_start3A_45 : memref<1x100xi32, #tpu.memory_space<vmem>> -> memref<100xi32, #tpu.memory_space<vmem>>
      %dma_start3A_47 = arith.constant 0 : i32
      %dma_start3A_48 = arith.constant 0 : i32
      %dma_start3A_49 = tpu.memref_slice %arg2[%dma_start3A_47, %dma_start3A_48] : memref<20000x128xf32, #tpu.memory_space<hbm>> -> memref<20000x128xf32, #tpu.memory_space<hbm>>
      %dma_start3A_50 = tpu.memref_slice %arg10[%dma_start3A_39] : memref<2x!tpu.dma_semaphore, #tpu.memory_space<semaphore_mem>> -> memref<1x!tpu.dma_semaphore, #tpu.memory_space<semaphore_mem>>
      %dma_start3A_51 = tpu.memref_squeeze %dma_start3A_50 : memref<1x!tpu.dma_semaphore, #tpu.memory_space<semaphore_mem>> -> memref<!tpu.dma_semaphore, #tpu.memory_space<semaphore_mem>>
      tpu.enqueue_indirect_dma source(%dma_start3A_49 : memref<20000x128xf32, #tpu.memory_space<hbm>>) target(%dma_start3A_43 : memref<100x128xf32, #tpu.memory_space<vmem>>) offsets(%dma_start3A_46 : memref<100xi32, #tpu.memory_space<vmem>>) semaphore(%dma_start3A_51 : memref<!tpu.dma_semaphore, #tpu.memory_space<semaphore_mem>>)
      %dma_wait3A = arith.constant 0 : i32
      %dma_wait3A_52 = arith.constant 0 : i32
      %dma_wait3A_53 = arith.constant 0 : i32
      %dma_wait3A_54 = arith.constant 0 : i32
      %dma_wait3A_55 = arith.constant 0 : i32
      %dma_wait3A_56 = tpu.memref_slice %arg8[%dma_wait3A_52, %dma_wait3A_54, %dma_wait3A_55] : memref<2x100x128xf32, #tpu.memory_space<vmem>> -> memref<1x100x128xf32, #tpu.memory_space<vmem>>
      %dma_wait3A_57 = tpu.memref_squeeze %dma_wait3A_56 : memref<1x100x128xf32, #tpu.memory_space<vmem>> -> memref<100x128xf32, #tpu.memory_space<vmem>>
      %dma_wait3A_58 = arith.constant 0 : i32
      %dma_wait3A_59 = tpu.memref_slice %arg6[%dma_wait3A, %dma_wait3A_58] : memref<100x100xi32, #tpu.memory_space<vmem>> -> memref<1x100xi32, #tpu.memory_space<vmem>>
      %dma_wait3A_60 = tpu.memref_squeeze %dma_wait3A_59 : memref<1x100xi32, #tpu.memory_space<vmem>> -> memref<100xi32, #tpu.memory_space<vmem>>
      %dma_wait3A_61 = arith.constant 0 : i32
      %dma_wait3A_62 = arith.constant 0 : i32
      %dma_wait3A_63 = tpu.memref_slice %arg2[%dma_wait3A_61, %dma_wait3A_62] : memref<20000x128xf32, #tpu.memory_space<hbm>> -> memref<20000x128xf32, #tpu.memory_space<hbm>>
      %dma_wait3A_64 = tpu.memref_slice %arg10[%dma_wait3A_53] : memref<2x!tpu.dma_semaphore, #tpu.memory_space<semaphore_mem>> -> memref<1x!tpu.dma_semaphore, #tpu.memory_space<semaphore_mem>>
      %dma_wait3A_65 = tpu.memref_squeeze %dma_wait3A_64 : memref<1x!tpu.dma_semaphore, #tpu.memory_space<semaphore_mem>> -> memref<!tpu.dma_semaphore, #tpu.memory_space<semaphore_mem>>
      tpu.wait_indirect_dma semaphore(%dma_wait3A_65 : memref<!tpu.dma_semaphore, #tpu.memory_space<semaphore_mem>>) src(%dma_wait3A_63 : memref<20000x128xf32, #tpu.memory_space<hbm>>) dst(%dma_wait3A_57 : memref<100x128xf32, #tpu.memory_space<vmem>>)
      %run_scoped3A = arith.constant 0 : i32
      "tpu.region"() ({
        %run_scoped3A_86 = tpu.sem_alloc : memref<!tpu.dma_semaphore, #tpu.memory_space<semaphore_mem>>
        %dma_start3A_87 = arith.constant 0 : i32
        %dma_start3A_88 = arith.constant 0 : i32
        %dma_start3A_89 = tpu.memref_slice %arg8[%run_scoped3A, %dma_start3A_87, %dma_start3A_88] : memref<2x100x128xf32, #tpu.memory_space<vmem>> -> memref<1x100x128xf32, #tpu.memory_space<vmem>>
        %dma_start3A_90 = tpu.memref_squeeze %dma_start3A_89 : memref<1x100x128xf32, #tpu.memory_space<vmem>> -> memref<100x128xf32, #tpu.memory_space<vmem>>
        %dma_start3A_91 = arith.constant 0 : i32
        %dma_start3A_92 = tpu.memref_slice %arg7[%mul3A_35, %dma_start3A_91] : memref<100x100xi32, #tpu.memory_space<vmem>> -> memref<1x100xi32, #tpu.memory_space<vmem>>
        %dma_start3A_93 = tpu.memref_squeeze %dma_start3A_92 : memref<1x100xi32, #tpu.memory_space<vmem>> -> memref<100xi32, #tpu.memory_space<vmem>>
        %dma_start3A_94 = arith.constant 0 : i32
        %dma_start3A_95 = arith.constant 0 : i32
        %dma_start3A_96 = tpu.memref_slice %arg9[%dma_start3A_94, %dma_start3A_95] : memref<10008x128xf32, #tpu.memory_space<vmem_shared>> -> memref<10008x128xf32, #tpu.memory_space<vmem_shared>>
        tpu.enqueue_indirect_dma source(%dma_start3A_90 : memref<100x128xf32, #tpu.memory_space<vmem>>) target(%dma_start3A_96 : memref<10008x128xf32, #tpu.memory_space<vmem_shared>>) offsets(%dma_start3A_93 : memref<100xi32, #tpu.memory_space<vmem>>) semaphore(%run_scoped3A_86 : memref<!tpu.dma_semaphore, #tpu.memory_space<semaphore_mem>>) {add = true}
        %dma_wait3A_97 = arith.constant 0 : i32
        %dma_wait3A_98 = arith.constant 0 : i32
        %dma_wait3A_99 = tpu.memref_slice %arg8[%run_scoped3A, %dma_wait3A_97, %dma_wait3A_98] : memref<2x100x128xf32, #tpu.memory_space<vmem>> -> memref<1x100x128xf32, #tpu.memory_space<vmem>>
        %dma_wait3A_100 = tpu.memref_squeeze %dma_wait3A_99 : memref<1x100x128xf32, #tpu.memory_space<vmem>> -> memref<100x128xf32, #tpu.memory_space<vmem>>
        %dma_wait3A_101 = arith.constant 0 : i32
        %dma_wait3A_102 = tpu.memref_slice %arg7[%mul3A_35, %dma_wait3A_101] : memref<100x100xi32, #tpu.memory_space<vmem>> -> memref<1x100xi32, #tpu.memory_space<vmem>>
        %dma_wait3A_103 = tpu.memref_squeeze %dma_wait3A_102 : memref<1x100xi32, #tpu.memory_space<vmem>> -> memref<100xi32, #tpu.memory_space<vmem>>
        %dma_wait3A_104 = arith.constant 0 : i32
        %dma_wait3A_105 = arith.constant 0 : i32
        %dma_wait3A_106 = tpu.memref_slice %arg9[%dma_wait3A_104, %dma_wait3A_105] : memref<10008x128xf32, #tpu.memory_space<vmem_shared>> -> memref<10008x128xf32, #tpu.memory_space<vmem_shared>>
        tpu.wait_indirect_dma semaphore(%run_scoped3A_86 : memref<!tpu.dma_semaphore, #tpu.memory_space<semaphore_mem>>) src(%dma_wait3A_100 : memref<100x128xf32, #tpu.memory_space<vmem>>) dst(%dma_wait3A_106 : memref<10008x128xf32, #tpu.memory_space<vmem_shared>>)
        tpu.yield
      }) : () -> ()
      %lt3A = arith.constant 49 : i32
      %lt3A_66 = arith.cmpi slt, %scan3A_33, %lt3A : i32
      %convert_element_type3A = arith.extui %lt3A_66 : i1 to i32
      %cond3A = arith.constant 0 : i32
      %cond3A_67 = arith.cmpi ne, %convert_element_type3A, %cond3A : i32
      scf.if %cond3A_67 {
        %add3A_86 = arith.constant 2 : i32
        %add3A_87 = arith.addi %mul3A_35, %add3A_86 : i32
        %dma_start3A_88 = arith.constant 0 : i32
        %dma_start3A_89 = arith.constant 0 : i32
        %dma_start3A_90 = arith.constant 0 : i32
        %dma_start3A_91 = arith.constant 0 : i32
        %dma_start3A_92 = tpu.memref_slice %arg8[%dma_start3A_88, %dma_start3A_90, %dma_start3A_91] : memref<2x100x128xf32, #tpu.memory_space<vmem>> -> memref<1x100x128xf32, #tpu.memory_space<vmem>>
        %dma_start3A_93 = tpu.memref_squeeze %dma_start3A_92 : memref<1x100x128xf32, #tpu.memory_space<vmem>> -> memref<100x128xf32, #tpu.memory_space<vmem>>
        %dma_start3A_94 = arith.constant 0 : i32
        %dma_start3A_95 = tpu.memref_slice %arg6[%add3A_87, %dma_start3A_94] : memref<100x100xi32, #tpu.memory_space<vmem>> -> memref<1x100xi32, #tpu.memory_space<vmem>>
        %dma_start3A_96 = tpu.memref_squeeze %dma_start3A_95 : memref<1x100xi32, #tpu.memory_space<vmem>> -> memref<100xi32, #tpu.memory_space<vmem>>
        %dma_start3A_97 = arith.constant 0 : i32
        %dma_start3A_98 = arith.constant 0 : i32
        %dma_start3A_99 = tpu.memref_slice %arg2[%dma_start3A_97, %dma_start3A_98] : memref<20000x128xf32, #tpu.memory_space<hbm>> -> memref<20000x128xf32, #tpu.memory_space<hbm>>
        %dma_start3A_100 = tpu.memref_slice %arg10[%dma_start3A_89] : memref<2x!tpu.dma_semaphore, #tpu.memory_space<semaphore_mem>> -> memref<1x!tpu.dma_semaphore, #tpu.memory_space<semaphore_mem>>
        %dma_start3A_101 = tpu.memref_squeeze %dma_start3A_100 : memref<1x!tpu.dma_semaphore, #tpu.memory_space<semaphore_mem>> -> memref<!tpu.dma_semaphore, #tpu.memory_space<semaphore_mem>>
        tpu.enqueue_indirect_dma source(%dma_start3A_99 : memref<20000x128xf32, #tpu.memory_space<hbm>>) target(%dma_start3A_93 : memref<100x128xf32, #tpu.memory_space<vmem>>) offsets(%dma_start3A_96 : memref<100xi32, #tpu.memory_space<vmem>>) semaphore(%dma_start3A_101 : memref<!tpu.dma_semaphore, #tpu.memory_space<semaphore_mem>>)
      } else {
      }
      %add3A_68 = arith.constant 1 : i32
      %add3A_69 = arith.addi %mul3A_35, %add3A_68 : i32
      %dma_wait3A_70 = arith.constant 0 : i32
      %dma_wait3A_71 = arith.constant 1 : i32
      %dma_wait3A_72 = arith.constant 1 : i32
      %dma_wait3A_73 = arith.constant 0 : i32
      %dma_wait3A_74 = arith.constant 0 : i32
      %dma_wait3A_75 = tpu.memref_slice %arg8[%dma_wait3A_71, %dma_wait3A_73, %dma_wait3A_74] : memref<2x100x128xf32, #tpu.memory_space<vmem>> -> memref<1x100x128xf32, #tpu.memory_space<vmem>>
      %dma_wait3A_76 = tpu.memref_squeeze %dma_wait3A_75 : memref<1x100x128xf32, #tpu.memory_space<vmem>> -> memref<100x128xf32, #tpu.memory_space<vmem>>
      %dma_wait3A_77 = arith.constant 0 : i32
      %dma_wait3A_78 = tpu.memref_slice %arg6[%dma_wait3A_70, %dma_wait3A_77] : memref<100x100xi32, #tpu.memory_space<vmem>> -> memref<1x100xi32, #tpu.memory_space<vmem>>
      %dma_wait3A_79 = tpu.memref_squeeze %dma_wait3A_78 : memref<1x100xi32, #tpu.memory_space<vmem>> -> memref<100xi32, #tpu.memory_space<vmem>>
      %dma_wait3A_80 = arith.constant 0 : i32
      %dma_wait3A_81 = arith.constant 0 : i32
      %dma_wait3A_82 = tpu.memref_slice %arg2[%dma_wait3A_80, %dma_wait3A_81] : memref<20000x128xf32, #tpu.memory_space<hbm>> -> memref<20000x128xf32, #tpu.memory_space<hbm>>
      %dma_wait3A_83 = tpu.memref_slice %arg10[%dma_wait3A_72] : memref<2x!tpu.dma_semaphore, #tpu.memory_space<semaphore_mem>> -> memref<1x!tpu.dma_semaphore, #tpu.memory_space<semaphore_mem>>
      %dma_wait3A_84 = tpu.memref_squeeze %dma_wait3A_83 : memref<1x!tpu.dma_semaphore, #tpu.memory_space<semaphore_mem>> -> memref<!tpu.dma_semaphore, #tpu.memory_space<semaphore_mem>>
      tpu.wait_indirect_dma semaphore(%dma_wait3A_84 : memref<!tpu.dma_semaphore, #tpu.memory_space<semaphore_mem>>) src(%dma_wait3A_82 : memref<20000x128xf32, #tpu.memory_space<hbm>>) dst(%dma_wait3A_76 : memref<100x128xf32, #tpu.memory_space<vmem>>)
      %run_scoped3A_85 = arith.constant 1 : i32
      "tpu.region"() ({
        %run_scoped3A_86 = tpu.sem_alloc : memref<!tpu.dma_semaphore, #tpu.memory_space<semaphore_mem>>
        %dma_start3A_87 = arith.constant 0 : i32
        %dma_start3A_88 = arith.constant 0 : i32
        %dma_start3A_89 = tpu.memref_slice %arg8[%run_scoped3A_85, %dma_start3A_87, %dma_start3A_88] : memref<2x100x128xf32, #tpu.memory_space<vmem>> -> memref<1x100x128xf32, #tpu.memory_space<vmem>>
        %dma_start3A_90 = tpu.memref_squeeze %dma_start3A_89 : memref<1x100x128xf32, #tpu.memory_space<vmem>> -> memref<100x128xf32, #tpu.memory_space<vmem>>
        %dma_start3A_91 = arith.constant 0 : i32
        %dma_start3A_92 = tpu.memref_slice %arg7[%add3A_69, %dma_start3A_91] : memref<100x100xi32, #tpu.memory_space<vmem>> -> memref<1x100xi32, #tpu.memory_space<vmem>>
        %dma_start3A_93 = tpu.memref_squeeze %dma_start3A_92 : memref<1x100xi32, #tpu.memory_space<vmem>> -> memref<100xi32, #tpu.memory_space<vmem>>
        %dma_start3A_94 = arith.constant 0 : i32
        %dma_start3A_95 = arith.constant 0 : i32
        %dma_start3A_96 = tpu.memref_slice %arg9[%dma_start3A_94, %dma_start3A_95] : memref<10008x128xf32, #tpu.memory_space<vmem_shared>> -> memref<10008x128xf32, #tpu.memory_space<vmem_shared>>
        tpu.enqueue_indirect_dma source(%dma_start3A_90 : memref<100x128xf32, #tpu.memory_space<vmem>>) target(%dma_start3A_96 : memref<10008x128xf32, #tpu.memory_space<vmem_shared>>) offsets(%dma_start3A_93 : memref<100xi32, #tpu.memory_space<vmem>>) semaphore(%run_scoped3A_86 : memref<!tpu.dma_semaphore, #tpu.memory_space<semaphore_mem>>) {add = true}
        %dma_wait3A_97 = arith.constant 0 : i32
        %dma_wait3A_98 = arith.constant 0 : i32
        %dma_wait3A_99 = tpu.memref_slice %arg8[%run_scoped3A_85, %dma_wait3A_97, %dma_wait3A_98] : memref<2x100x128xf32, #tpu.memory_space<vmem>> -> memref<1x100x128xf32, #tpu.memory_space<vmem>>
        %dma_wait3A_100 = tpu.memref_squeeze %dma_wait3A_99 : memref<1x100x128xf32, #tpu.memory_space<vmem>> -> memref<100x128xf32, #tpu.memory_space<vmem>>
        %dma_wait3A_101 = arith.constant 0 : i32
        %dma_wait3A_102 = tpu.memref_slice %arg7[%add3A_69, %dma_wait3A_101] : memref<100x100xi32, #tpu.memory_space<vmem>> -> memref<1x100xi32, #tpu.memory_space<vmem>>
        %dma_wait3A_103 = tpu.memref_squeeze %dma_wait3A_102 : memref<1x100xi32, #tpu.memory_space<vmem>> -> memref<100xi32, #tpu.memory_space<vmem>>
        %dma_wait3A_104 = arith.constant 0 : i32
        %dma_wait3A_105 = arith.constant 0 : i32
        %dma_wait3A_106 = tpu.memref_slice %arg9[%dma_wait3A_104, %dma_wait3A_105] : memref<10008x128xf32, #tpu.memory_space<vmem_shared>> -> memref<10008x128xf32, #tpu.memory_space<vmem_shared>>
        tpu.wait_indirect_dma semaphore(%run_scoped3A_86 : memref<!tpu.dma_semaphore, #tpu.memory_space<semaphore_mem>>) src(%dma_wait3A_100 : memref<100x128xf32, #tpu.memory_space<vmem>>) dst(%dma_wait3A_106 : memref<10008x128xf32, #tpu.memory_space<vmem_shared>>)
        tpu.yield
      }) : () -> ()
    }
    %scan3A_28 = arith.constant 50 : i32
    %barrier3A_29 = arith.constant 0 : index
    tpu.barrier barrier_id(%barrier3A_29)
    %mul3A_30 = arith.constant 10000 : i32
    %mul3A_31 = arith.muli %arg0, %mul3A_30 : i32
    %add3A_32 = arith.addi %mul3A_31, %mul3A_0 : i32
    "tpu.region"() ({
      %run_scoped3A = tpu.sem_alloc : memref<!tpu.dma_semaphore, #tpu.memory_space<semaphore_mem>>
      %dma_start3A_33 = arith.constant 0 : i32
      %dma_start3A_34 = tpu.memref_slice %arg5[%add3A_32, %dma_start3A_33] : memref<20000x128xf32, #tpu.memory_space<hbm>> -> memref<625x128xf32, #tpu.memory_space<hbm>>
      %dma_start3A_35 = arith.constant 0 : i32
      %dma_start3A_36 = tpu.memref_slice %arg9[%mul3A_0, %dma_start3A_35] : memref<10008x128xf32, #tpu.memory_space<vmem_shared>> -> memref<625x128xf32, #tpu.memory_space<vmem_shared>>
      tpu.enqueue_dma source(%dma_start3A_36 : memref<625x128xf32, #tpu.memory_space<vmem_shared>>) target(%dma_start3A_34 : memref<625x128xf32, #tpu.memory_space<hbm>>) target_semaphore(%run_scoped3A : memref<!tpu.dma_semaphore, #tpu.memory_space<semaphore_mem>>)
      %dma_wait3A = arith.constant 0 : i32
      %dma_wait3A_37 = tpu.memref_slice %arg5[%add3A_32, %dma_wait3A] : memref<20000x128xf32, #tpu.memory_space<hbm>> -> memref<625x128xf32, #tpu.memory_space<hbm>>
      %dma_wait3A_38 = arith.constant 0 : i32
      %dma_wait3A_39 = tpu.memref_slice %arg9[%mul3A_0, %dma_wait3A_38] : memref<10008x128xf32, #tpu.memory_space<vmem_shared>> -> memref<625x128xf32, #tpu.memory_space<vmem_shared>>
      tpu.wait_dma2 semaphore(%run_scoped3A : memref<!tpu.dma_semaphore, #tpu.memory_space<semaphore_mem>>) src(%dma_wait3A_39 : memref<625x128xf32, #tpu.memory_space<vmem_shared>>) dst(%dma_wait3A_37 : memref<625x128xf32, #tpu.memory_space<hbm>>)
      tpu.yield
    }) : () -> ()
    return
  }
}

module attributes {stable_mosaic.version = 14 : i64} {
  func.func @_mlp1_body(%arg0: i32, %arg1: memref<2x1000x128xf32, #tpu.memory_space<vmem>>, %arg2: memref<256x256xf32, #tpu.memory_space<vmem>>, %arg3: memref<1x256xf32, #tpu.memory_space<vmem>>, %arg4: memref<256x256xf32, #tpu.memory_space<vmem>>, %arg5: memref<1x256xf32, #tpu.memory_space<vmem>>, %arg6: memref<2x1000x128xf32, #tpu.memory_space<vmem>>) attributes {dimension_semantics = [#tpu.dimension_semantics<arbitrary>], iteration_bounds = array<i64: 10>, scalar_prefetch = 0 : i64, scratch_operands = 0 : i64, tpu.core_type = #tpu.core_type<tc>, window_params = [{transform_indices = @transform_0, window_bounds = array<i64: 2, 1000, 128>}, {pipeline_mode = #tpu.pipeline_mode<synchronous>, transform_indices = @transform_1, window_bounds = array<i64: 256, 256>}, {pipeline_mode = #tpu.pipeline_mode<synchronous>, transform_indices = @transform_2, window_bounds = array<i64: 1, 256>}, {pipeline_mode = #tpu.pipeline_mode<synchronous>, transform_indices = @transform_3, window_bounds = array<i64: 256, 256>}, {pipeline_mode = #tpu.pipeline_mode<synchronous>, transform_indices = @transform_4, window_bounds = array<i64: 1, 256>}, {transform_indices = @transform_5, window_bounds = array<i64: 2, 1000, 128>}]} {
    %get3A = arith.constant 0 : index
    %get3A_0 = arith.constant 0 : index
    %get3A_1 = arith.constant 0 : index
    %get3A_2 = vector.load %arg1[%get3A, %get3A_0, %get3A_1] : memref<2x1000x128xf32, #tpu.memory_space<vmem>>, vector<1x1000x128xf32>
    %get3A_3 = vector.shape_cast %get3A_2 : vector<1x1000x128xf32> to vector<1000x128xf32>
    %get3A_4 = arith.constant 1 : index
    %get3A_5 = arith.constant 0 : index
    %get3A_6 = arith.constant 0 : index
    %get3A_7 = vector.load %arg1[%get3A_4, %get3A_5, %get3A_6] : memref<2x1000x128xf32, #tpu.memory_space<vmem>>, vector<1x1000x128xf32>
    %get3A_8 = vector.shape_cast %get3A_7 : vector<1x1000x128xf32> to vector<1000x128xf32>
    %concatenate3A = tpu.concatenate %get3A_3, %get3A_8 in 1 : vector<1000x128xf32>, vector<1000x128xf32> -> vector<1000x256xf32>
    %get3A_9 = arith.constant 0 : index
    %get3A_10 = arith.constant 0 : index
    %get3A_11 = vector.load %arg2[%get3A_9, %get3A_10] : memref<256x256xf32, #tpu.memory_space<vmem>>, vector<256x256xf32>
    %dot_general3A = arith.constant dense<0.000000e+00> : vector<1000x256xf32>
    %dot_general3A_12 = tpu.matmul %concatenate3A, %get3A_11, %dot_general3A {dimension_numbers = #tpu.dot_dimension_numbers<[1], [0], [0], [1], [0, 0, 1, 1], [], []>, transpose_lhs_hint = false} : vector<1000x256xf32>, vector<256x256xf32>, vector<1000x256xf32> -> vector<1000x256xf32>
    %get3A_13 = arith.constant 0 : index
    %get3A_14 = arith.constant 0 : index
    %get3A_15 = vector.load %arg3[%get3A_13, %get3A_14] : memref<1x256xf32, #tpu.memory_space<vmem>>, vector<1x256xf32>
    %add3A = vector.broadcast %get3A_15 : vector<1x256xf32> to vector<1000x256xf32>
    %add3A_16 = arith.addf %dot_general3A_12, %add3A : vector<1000x256xf32>
    %max3A = arith.constant 0.000000e+00 : f32
    %max3A_17 = vector.broadcast %max3A : f32 to vector<1000x256xf32>
    %max3A_18 = arith.maximumf %add3A_16, %max3A_17 : vector<1000x256xf32>
    %get3A_19 = arith.constant 0 : index
    %get3A_20 = arith.constant 0 : index
    %get3A_21 = vector.load %arg4[%get3A_19, %get3A_20] : memref<256x256xf32, #tpu.memory_space<vmem>>, vector<256x256xf32>
    %dot_general3A_22 = arith.constant dense<0.000000e+00> : vector<1000x256xf32>
    %dot_general3A_23 = tpu.matmul %max3A_18, %get3A_21, %dot_general3A_22 {dimension_numbers = #tpu.dot_dimension_numbers<[1], [0], [0], [1], [0, 0, 1, 1], [], []>, transpose_lhs_hint = false} : vector<1000x256xf32>, vector<256x256xf32>, vector<1000x256xf32> -> vector<1000x256xf32>
    %get3A_24 = arith.constant 0 : index
    %get3A_25 = arith.constant 0 : index
    %get3A_26 = vector.load %arg5[%get3A_24, %get3A_25] : memref<1x256xf32, #tpu.memory_space<vmem>>, vector<1x256xf32>
    %add3A_27 = vector.broadcast %get3A_26 : vector<1x256xf32> to vector<1000x256xf32>
    %add3A_28 = arith.addf %dot_general3A_23, %add3A_27 : vector<1000x256xf32>
    %max3A_29 = arith.constant 0.000000e+00 : f32
    %max3A_30 = vector.broadcast %max3A_29 : f32 to vector<1000x256xf32>
    %max3A_31 = arith.maximumf %add3A_28, %max3A_30 : vector<1000x256xf32>
    %slice3A = vector.extract_strided_slice %max3A_31 {offsets = [0, 0], sizes = [1000, 128], strides = [1, 1]} : vector<1000x256xf32> to vector<1000x128xf32>
    %swap3A = arith.constant 0 : index
    %swap3A_32 = arith.constant 0 : index
    %swap3A_33 = arith.constant 0 : index
    %swap3A_34 = vector.load %arg6[%swap3A, %swap3A_32, %swap3A_33] : memref<2x1000x128xf32, #tpu.memory_space<vmem>>, vector<1x1000x128xf32>
    %swap3A_35 = vector.shape_cast %swap3A_34 : vector<1x1000x128xf32> to vector<1000x128xf32>
    %swap3A_36 = vector.shape_cast %slice3A : vector<1000x128xf32> to vector<1x1000x128xf32>
    tpu.vector_store %arg6[%swap3A, %swap3A_32, %swap3A_33], %swap3A_36 {strides = array<i32>} : memref<2x1000x128xf32, #tpu.memory_space<vmem>>, vector<1x1000x128xf32>,
    %slice3A_37 = vector.extract_strided_slice %max3A_31 {offsets = [0, 128], sizes = [1000, 128], strides = [1, 1]} : vector<1000x256xf32> to vector<1000x128xf32>
    %swap3A_38 = arith.constant 1 : index
    %swap3A_39 = arith.constant 0 : index
    %swap3A_40 = arith.constant 0 : index
    %swap3A_41 = vector.load %arg6[%swap3A_38, %swap3A_39, %swap3A_40] : memref<2x1000x128xf32, #tpu.memory_space<vmem>>, vector<1x1000x128xf32>
    %swap3A_42 = vector.shape_cast %swap3A_41 : vector<1x1000x128xf32> to vector<1000x128xf32>
    %swap3A_43 = vector.shape_cast %slice3A_37 : vector<1000x128xf32> to vector<1x1000x128xf32>
    tpu.vector_store %arg6[%swap3A_38, %swap3A_39, %swap3A_40], %swap3A_43 {strides = array<i32>} : memref<2x1000x128xf32, #tpu.memory_space<vmem>>, vector<1x1000x128xf32>,
    return
  }
  func.func @transform_0(%arg0: i32) -> (i32, i32, i32) {
    %c0_i32 = arith.constant 0 : i32
    %c0_i32_0 = arith.constant 0 : i32
    %c0_i32_1 = arith.constant 0 : i32
    return %c0_i32, %arg0, %c0_i32_0 : i32, i32, i32
  }
  func.func @transform_1(%arg0: i32) -> (i32, i32) {
    %c0_i32 = arith.constant 0 : i32
    %c0_i32_0 = arith.constant 0 : i32
    %c0_i32_1 = arith.constant 0 : i32
    return %c0_i32, %c0_i32_0 : i32, i32
  }
  func.func @transform_2(%arg0: i32) -> (i32, i32) {
    %c0_i32 = arith.constant 0 : i32
    %c0_i32_0 = arith.constant 0 : i32
    %c0_i32_1 = arith.constant 0 : i32
    return %c0_i32, %c0_i32_0 : i32, i32
  }
  func.func @transform_3(%arg0: i32) -> (i32, i32) {
    %c0_i32 = arith.constant 0 : i32
    %c0_i32_0 = arith.constant 0 : i32
    %c0_i32_1 = arith.constant 0 : i32
    return %c0_i32, %c0_i32_0 : i32, i32
  }
  func.func @transform_4(%arg0: i32) -> (i32, i32) {
    %c0_i32 = arith.constant 0 : i32
    %c0_i32_0 = arith.constant 0 : i32
    %c0_i32_1 = arith.constant 0 : i32
    return %c0_i32, %c0_i32_0 : i32, i32
  }
  func.func @transform_5(%arg0: i32) -> (i32, i32, i32) {
    %c0_i32 = arith.constant 0 : i32
    %c0_i32_0 = arith.constant 0 : i32
    %c0_i32_1 = arith.constant 0 : i32
    return %c0_i32, %arg0, %c0_i32_0 : i32, i32, i32
  }
}

module attributes {stable_mosaic.version = 14 : i64} {
  func.func @_mlp2_body(%arg0: i32, %arg1: memref<2x1000x128xf32, #tpu.memory_space<vmem>>, %arg2: memref<1x1x1000xi32, #tpu.memory_space<vmem>>, %arg3: memref<256x256xf32, #tpu.memory_space<vmem>>, %arg4: memref<1x256xf32, #tpu.memory_space<vmem>>, %arg5: memref<256x256xf32, #tpu.memory_space<vmem>>, %arg6: memref<1x256xf32, #tpu.memory_space<vmem>>, %arg7: memref<128x256xf32, #tpu.memory_space<vmem>>) attributes {dimension_semantics = [#tpu.dimension_semantics<arbitrary>], iteration_bounds = array<i64: 10>, scalar_prefetch = 0 : i64, scratch_operands = 0 : i64, tpu.core_type = #tpu.core_type<tc>, window_params = [{transform_indices = @transform_0, window_bounds = array<i64: 2, 1000, 128>}, {transform_indices = @transform_1, window_bounds = array<i64: 1, 1, 1000>}, {pipeline_mode = #tpu.pipeline_mode<synchronous>, transform_indices = @transform_2, window_bounds = array<i64: 256, 256>}, {pipeline_mode = #tpu.pipeline_mode<synchronous>, transform_indices = @transform_3, window_bounds = array<i64: 1, 256>}, {pipeline_mode = #tpu.pipeline_mode<synchronous>, transform_indices = @transform_4, window_bounds = array<i64: 256, 256>}, {pipeline_mode = #tpu.pipeline_mode<synchronous>, transform_indices = @transform_5, window_bounds = array<i64: 1, 256>}, {pipeline_mode = #tpu.pipeline_mode<synchronous>, transform_indices = @transform_6, window_bounds = array<i64: 128, 256>}]} {
    %get3A = arith.constant 0 : index
    %get3A_0 = arith.constant 0 : index
    %get3A_1 = arith.constant 0 : index
    %get3A_2 = vector.load %arg1[%get3A, %get3A_0, %get3A_1] : memref<2x1000x128xf32, #tpu.memory_space<vmem>>, vector<1x1000x128xf32>
    %get3A_3 = vector.shape_cast %get3A_2 : vector<1x1000x128xf32> to vector<1000x128xf32>
    %get3A_4 = arith.constant 1 : index
    %get3A_5 = arith.constant 0 : index
    %get3A_6 = arith.constant 0 : index
    %get3A_7 = vector.load %arg1[%get3A_4, %get3A_5, %get3A_6] : memref<2x1000x128xf32, #tpu.memory_space<vmem>>, vector<1x1000x128xf32>
    %get3A_8 = vector.shape_cast %get3A_7 : vector<1x1000x128xf32> to vector<1000x128xf32>
    %concatenate3A = tpu.concatenate %get3A_3, %get3A_8 in 1 : vector<1000x128xf32>, vector<1000x128xf32> -> vector<1000x256xf32>
    %get3A_9 = arith.constant 0 : index
    %get3A_10 = arith.constant 0 : index
    %get3A_11 = vector.load %arg3[%get3A_9, %get3A_10] : memref<256x256xf32, #tpu.memory_space<vmem>>, vector<256x256xf32>
    %dot_general3A = arith.constant dense<0.000000e+00> : vector<1000x256xf32>
    %dot_general3A_12 = tpu.matmul %concatenate3A, %get3A_11, %dot_general3A {dimension_numbers = #tpu.dot_dimension_numbers<[1], [0], [0], [1], [0, 0, 1, 1], [], []>, transpose_lhs_hint = false} : vector<1000x256xf32>, vector<256x256xf32>, vector<1000x256xf32> -> vector<1000x256xf32>
    %get3A_13 = arith.constant 0 : index
    %get3A_14 = arith.constant 0 : index
    %get3A_15 = vector.load %arg4[%get3A_13, %get3A_14] : memref<1x256xf32, #tpu.memory_space<vmem>>, vector<1x256xf32>
    %add3A = vector.broadcast %get3A_15 : vector<1x256xf32> to vector<1000x256xf32>
    %add3A_16 = arith.addf %dot_general3A_12, %add3A : vector<1000x256xf32>
    %max3A = arith.constant 0.000000e+00 : f32
    %max3A_17 = vector.broadcast %max3A : f32 to vector<1000x256xf32>
    %max3A_18 = arith.maximumf %add3A_16, %max3A_17 : vector<1000x256xf32>
    %get3A_19 = arith.constant 0 : index
    %get3A_20 = arith.constant 0 : index
    %get3A_21 = vector.load %arg5[%get3A_19, %get3A_20] : memref<256x256xf32, #tpu.memory_space<vmem>>, vector<256x256xf32>
    %dot_general3A_22 = arith.constant dense<0.000000e+00> : vector<1000x256xf32>
    %dot_general3A_23 = tpu.matmul %max3A_18, %get3A_21, %dot_general3A_22 {dimension_numbers = #tpu.dot_dimension_numbers<[1], [0], [0], [1], [0, 0, 1, 1], [], []>, transpose_lhs_hint = false} : vector<1000x256xf32>, vector<256x256xf32>, vector<1000x256xf32> -> vector<1000x256xf32>
    %get3A_24 = arith.constant 0 : index
    %get3A_25 = arith.constant 0 : index
    %get3A_26 = vector.load %arg6[%get3A_24, %get3A_25] : memref<1x256xf32, #tpu.memory_space<vmem>>, vector<1x256xf32>
    %add3A_27 = vector.broadcast %get3A_26 : vector<1x256xf32> to vector<1000x256xf32>
    %add3A_28 = arith.addf %dot_general3A_23, %add3A_27 : vector<1000x256xf32>
    %max3A_29 = arith.constant 0.000000e+00 : f32
    %max3A_30 = vector.broadcast %max3A_29 : f32 to vector<1000x256xf32>
    %max3A_31 = arith.maximumf %add3A_28, %max3A_30 : vector<1000x256xf32>
    %get3A_32 = arith.constant 0 : index
    %get3A_33 = arith.constant 0 : index
    %get3A_34 = arith.constant 0 : index
    %get3A_35 = vector.load %arg2[%get3A_32, %get3A_33, %get3A_34] : memref<1x1x1000xi32, #tpu.memory_space<vmem>>, vector<1x1x1000xi32>
    %get3A_36 = vector.shape_cast %get3A_35 : vector<1x1x1000xi32> to vector<1000xi32>
    %broadcast_in_dim3A = vector.shape_cast %get3A_36 : vector<1000xi32> to vector<1000x1xi32>
    %iota3A = tpu.iota {dimensions = array<i32: 1>} : vector<1000x64xi32>
    %eq3A = vector.broadcast %broadcast_in_dim3A : vector<1000x1xi32> to vector<1000x64xi32>
    %eq3A_37 = arith.cmpi eq, %eq3A, %iota3A : vector<1000x64xi32>
    %convert_element_type3A = arith.extui %eq3A_37 : vector<1000x64xi1> to vector<1000x64xi32>
    %convert_element_type3A_38 = arith.sitofp %convert_element_type3A : vector<1000x64xi32> to vector<1000x64xf32>
    %dot_general3A_39 = arith.constant dense<0.000000e+00> : vector<64x256xf32>
    %dot_general3A_40 = tpu.matmul %convert_element_type3A_38, %max3A_31, %dot_general3A_39 {dimension_numbers = #tpu.dot_dimension_numbers<[0], [0], [1], [1], [0, 1, 1, 1], [], []>, precision = #tpu.contract_precision<fp32>, transpose_lhs_hint = false} : vector<1000x64xf32>, vector<1000x256xf32>, vector<64x256xf32> -> vector<64x256xf32>
    %broadcast_in_dim3A_41 = arith.constant 1.000000e+00 : f32
    %broadcast_in_dim3A_42 = vector.broadcast %broadcast_in_dim3A_41 : f32 to vector<1000x256xf32>
    %dot_general3A_43 = arith.constant dense<0.000000e+00> : vector<64x256xf32>
    %dot_general3A_44 = tpu.matmul %convert_element_type3A_38, %broadcast_in_dim3A_42, %dot_general3A_43 {dimension_numbers = #tpu.dot_dimension_numbers<[0], [0], [1], [1], [0, 1, 1, 1], [], []>, transpose_lhs_hint = false} : vector<1000x64xf32>, vector<1000x256xf32>, vector<64x256xf32> -> vector<64x256xf32>
    %concatenate3A_45 = tpu.concatenate %dot_general3A_40, %dot_general3A_44 in 0 : vector<64x256xf32>, vector<64x256xf32> -> vector<128x256xf32>
    %eq3A_46 = arith.constant 0 : i32
    %eq3A_47 = arith.cmpi eq, %arg0, %eq3A_46 : i32
    %convert_element_type3A_48 = arith.extui %eq3A_47 : i1 to i32
    %cond3A = arith.constant 0 : i32
    %cond3A_49 = arith.cmpi ne, %convert_element_type3A_48, %cond3A : i32
    scf.if %cond3A_49 {
      %broadcast_in_dim3A_56 = arith.constant 0.000000e+00 : f32
      %broadcast_in_dim3A_57 = vector.broadcast %broadcast_in_dim3A_56 : f32 to vector<128x256xf32>
      %swap3A_58 = arith.constant 0 : index
      %swap3A_59 = arith.constant 0 : index
      %swap3A_60 = vector.load %arg7[%swap3A_58, %swap3A_59] : memref<128x256xf32, #tpu.memory_space<vmem>>, vector<128x256xf32>
      tpu.vector_store %arg7[%swap3A_58, %swap3A_59], %broadcast_in_dim3A_57 {strides = array<i32>} : memref<128x256xf32, #tpu.memory_space<vmem>>, vector<128x256xf32>,
    } else {
    }
    %get3A_50 = arith.constant 0 : index
    %get3A_51 = arith.constant 0 : index
    %get3A_52 = vector.load %arg7[%get3A_50, %get3A_51] : memref<128x256xf32, #tpu.memory_space<vmem>>, vector<128x256xf32>
    %add3A_53 = arith.addf %get3A_52, %concatenate3A_45 : vector<128x256xf32>
    %swap3A = arith.constant 0 : index
    %swap3A_54 = arith.constant 0 : index
    %swap3A_55 = vector.load %arg7[%swap3A, %swap3A_54] : memref<128x256xf32, #tpu.memory_space<vmem>>, vector<128x256xf32>
    tpu.vector_store %arg7[%swap3A, %swap3A_54], %add3A_53 {strides = array<i32>} : memref<128x256xf32, #tpu.memory_space<vmem>>, vector<128x256xf32>,
    return
  }
  func.func @transform_0(%arg0: i32) -> (i32, i32, i32) {
    %c0_i32 = arith.constant 0 : i32
    %c0_i32_0 = arith.constant 0 : i32
    %c0_i32_1 = arith.constant 0 : i32
    return %c0_i32, %arg0, %c0_i32_0 : i32, i32, i32
  }
  func.func @transform_1(%arg0: i32) -> (i32, i32, i32) {
    %c0_i32 = arith.constant 0 : i32
    %c0_i32_0 = arith.constant 0 : i32
    %c0_i32_1 = arith.constant 0 : i32
    return %arg0, %c0_i32, %c0_i32_0 : i32, i32, i32
  }
  func.func @transform_2(%arg0: i32) -> (i32, i32) {
    %c0_i32 = arith.constant 0 : i32
    %c0_i32_0 = arith.constant 0 : i32
    %c0_i32_1 = arith.constant 0 : i32
    return %c0_i32, %c0_i32_0 : i32, i32
  }
  func.func @transform_3(%arg0: i32) -> (i32, i32) {
    %c0_i32 = arith.constant 0 : i32
    %c0_i32_0 = arith.constant 0 : i32
    %c0_i32_1 = arith.constant 0 : i32
    return %c0_i32, %c0_i32_0 : i32, i32
  }
  func.func @transform_4(%arg0: i32) -> (i32, i32) {
    %c0_i32 = arith.constant 0 : i32
    %c0_i32_0 = arith.constant 0 : i32
    %c0_i32_1 = arith.constant 0 : i32
    return %c0_i32, %c0_i32_0 : i32, i32
  }
  func.func @transform_5(%arg0: i32) -> (i32, i32) {
    %c0_i32 = arith.constant 0 : i32
    %c0_i32_0 = arith.constant 0 : i32
    %c0_i32_1 = arith.constant 0 : i32
    return %c0_i32, %c0_i32_0 : i32, i32
  }
  func.func @transform_6(%arg0: i32) -> (i32, i32) {
    %c0_i32 = arith.constant 0 : i32
    %c0_i32_0 = arith.constant 0 : i32
    %c0_i32_1 = arith.constant 0 : i32
    return %c0_i32, %c0_i32_0 : i32, i32
  }
}

module attributes {stable_mosaic.version = 14 : i64} {
  func.func @_head_body(%arg0: i32, %arg1: memref<128x256xf32, #tpu.memory_space<vmem>>, %arg2: memref<256x128xf32, #tpu.memory_space<vmem>>, %arg3: memref<1x128xf32, #tpu.memory_space<vmem>>, %arg4: memref<128x128xf32, #tpu.memory_space<vmem>>, %arg5: memref<1x128xf32, #tpu.memory_space<vmem>>, %arg6: memref<64x128xf32, #tpu.memory_space<vmem>>) attributes {dimension_semantics = [#tpu.dimension_semantics<arbitrary>], iteration_bounds = array<i64: 1>, scalar_prefetch = 0 : i64, scratch_operands = 0 : i64, tpu.core_type = #tpu.core_type<tc>, window_params = [{pipeline_mode = #tpu.pipeline_mode<synchronous>, transform_indices = @transform_0, window_bounds = array<i64: 128, 256>}, {pipeline_mode = #tpu.pipeline_mode<synchronous>, transform_indices = @transform_1, window_bounds = array<i64: 256, 128>}, {pipeline_mode = #tpu.pipeline_mode<synchronous>, transform_indices = @transform_2, window_bounds = array<i64: 1, 128>}, {pipeline_mode = #tpu.pipeline_mode<synchronous>, transform_indices = @transform_3, window_bounds = array<i64: 128, 128>}, {pipeline_mode = #tpu.pipeline_mode<synchronous>, transform_indices = @transform_4, window_bounds = array<i64: 1, 128>}, {pipeline_mode = #tpu.pipeline_mode<synchronous>, transform_indices = @transform_5, window_bounds = array<i64: 64, 128>}]} {
    %get3A = arith.constant 0 : index
    %get3A_0 = arith.constant 0 : index
    %get3A_1 = vector.load %arg1[%get3A, %get3A_0] : memref<128x256xf32, #tpu.memory_space<vmem>>, vector<64x256xf32>
    %get3A_2 = arith.constant 64 : index
    %get3A_3 = arith.constant 0 : index
    %get3A_4 = vector.load %arg1[%get3A_2, %get3A_3] : memref<128x256xf32, #tpu.memory_space<vmem>>, vector<64x256xf32>
    %max3A = arith.constant 1.000000e+00 : f32
    %max3A_5 = vector.broadcast %max3A : f32 to vector<64x256xf32>
    %max3A_6 = arith.maximumf %get3A_4, %max3A_5 : vector<64x256xf32>
    %div3A = arith.divf %get3A_1, %max3A_6 : vector<64x256xf32>
    %get3A_7 = arith.constant 0 : index
    %get3A_8 = arith.constant 0 : index
    %get3A_9 = vector.load %arg2[%get3A_7, %get3A_8] : memref<256x128xf32, #tpu.memory_space<vmem>>, vector<256x128xf32>
    %dot_general3A = arith.constant dense<0.000000e+00> : vector<64x128xf32>
    %dot_general3A_10 = tpu.matmul %div3A, %get3A_9, %dot_general3A {dimension_numbers = #tpu.dot_dimension_numbers<[1], [0], [0], [1], [0, 0, 1, 1], [], []>, transpose_lhs_hint = false} : vector<64x256xf32>, vector<256x128xf32>, vector<64x128xf32> -> vector<64x128xf32>
    %get3A_11 = arith.constant 0 : index
    %get3A_12 = arith.constant 0 : index
    %get3A_13 = vector.load %arg3[%get3A_11, %get3A_12] : memref<1x128xf32, #tpu.memory_space<vmem>>, vector<1x128xf32>
    %add3A = vector.broadcast %get3A_13 : vector<1x128xf32> to vector<64x128xf32>
    %add3A_14 = arith.addf %dot_general3A_10, %add3A : vector<64x128xf32>
    %max3A_15 = arith.constant 0.000000e+00 : f32
    %max3A_16 = vector.broadcast %max3A_15 : f32 to vector<64x128xf32>
    %max3A_17 = arith.maximumf %add3A_14, %max3A_16 : vector<64x128xf32>
    %get3A_18 = arith.constant 0 : index
    %get3A_19 = arith.constant 0 : index
    %get3A_20 = vector.load %arg4[%get3A_18, %get3A_19] : memref<128x128xf32, #tpu.memory_space<vmem>>, vector<128x128xf32>
    %dot_general3A_21 = arith.constant dense<0.000000e+00> : vector<64x128xf32>
    %dot_general3A_22 = tpu.matmul %max3A_17, %get3A_20, %dot_general3A_21 {dimension_numbers = #tpu.dot_dimension_numbers<[1], [0], [0], [1], [0, 0, 1, 1], [], []>, transpose_lhs_hint = false} : vector<64x128xf32>, vector<128x128xf32>, vector<64x128xf32> -> vector<64x128xf32>
    %get3A_23 = arith.constant 0 : index
    %get3A_24 = arith.constant 0 : index
    %get3A_25 = vector.load %arg5[%get3A_23, %get3A_24] : memref<1x128xf32, #tpu.memory_space<vmem>>, vector<1x128xf32>
    %add3A_26 = vector.broadcast %get3A_25 : vector<1x128xf32> to vector<64x128xf32>
    %add3A_27 = arith.addf %dot_general3A_22, %add3A_26 : vector<64x128xf32>
    %swap3A = arith.constant 0 : index
    %swap3A_28 = arith.constant 0 : index
    %swap3A_29 = vector.load %arg6[%swap3A, %swap3A_28] : memref<64x128xf32, #tpu.memory_space<vmem>>, vector<64x128xf32>
    tpu.vector_store %arg6[%swap3A, %swap3A_28], %add3A_27 {strides = array<i32>} : memref<64x128xf32, #tpu.memory_space<vmem>>, vector<64x128xf32>,
    return
  }
  func.func @transform_0(%arg0: i32) -> (i32, i32) {
    %c0_i32 = arith.constant 0 : i32
    %c0_i32_0 = arith.constant 0 : i32
    %c0_i32_1 = arith.constant 0 : i32
    return %c0_i32, %c0_i32_0 : i32, i32
  }
  func.func @transform_1(%arg0: i32) -> (i32, i32) {
    %c0_i32 = arith.constant 0 : i32
    %c0_i32_0 = arith.constant 0 : i32
    %c0_i32_1 = arith.constant 0 : i32
    return %c0_i32, %c0_i32_0 : i32, i32
  }
  func.func @transform_2(%arg0: i32) -> (i32, i32) {
    %c0_i32 = arith.constant 0 : i32
    %c0_i32_0 = arith.constant 0 : i32
    %c0_i32_1 = arith.constant 0 : i32
    return %c0_i32, %c0_i32_0 : i32, i32
  }
  func.func @transform_3(%arg0: i32) -> (i32, i32) {
    %c0_i32 = arith.constant 0 : i32
    %c0_i32_0 = arith.constant 0 : i32
    %c0_i32_1 = arith.constant 0 : i32
    return %c0_i32, %c0_i32_0 : i32, i32
  }
  func.func @transform_4(%arg0: i32) -> (i32, i32) {
    %c0_i32 = arith.constant 0 : i32
    %c0_i32_0 = arith.constant 0 : i32
    %c0_i32_1 = arith.constant 0 : i32
    return %c0_i32, %c0_i32_0 : i32, i32
  }
  func.func @transform_5(%arg0: i32) -> (i32, i32) {
    %c0_i32 = arith.constant 0 : i32
    %c0_i32_0 = arith.constant 0 : i32
    %c0_i32_1 = arith.constant 0 : i32
    return %c0_i32, %c0_i32_0 : i32, i32
  }
}

</mosaic_0001>

<sc_bundles>
// kernel: kernel.10.cloned.1.call-start
scs
__scs_entry_jumppad:
0x0: {  	(pc) =	sbr.rel $0x88, $3  }
0x1: {  	(tag) =	ssettag $0x0;
	lr =	simm.s32 $0x1  }
0x2: {  	[smem:$0x3F92] =	sst lr;
	_ =	strace $0xD0000000  }
0x3: {  	_ = 	snop  }
0x4: {  	_ = 	snop  }
0x5: {  	_ = 	snop  }
0x6: {  	_ = 	snop  }
0x7: {  	_ = 	snop  }
__scs_overlays_trampoline_lowered:
0x8: {  	[smem:$0x3FA1] =	sst s0  }
0x9: {  	[smem:$0x3FA2] =	sst s1  }
0xa: {  	[smem:$0x3FA3] =	sst s2  }
0xb: {  	[smem:$0x3FA4] =	sst s3  }
0xc: {  	[smem:$0x3FA5] =	sst s4  }
0xd: {  	[smem:$0x3FA6] =	sst s5  }
0xe: {  	[smem:$0x3FA7] =	sst s6  }
0xf: {  	[smem:$0x3FA8] =	sst s7  }
0x10: {  	[smem:$0x3FA9] =	sst s8  }
0x11: {  	[smem:$0x3FAA] =	sst s9;
	s0 =	simm.s32 @!p0 $0x0  }
0x12: {  	s1 =	sld [smem:$0x3F90];
	s0 =	simm.s32 @p0 $0x1  }
0x13: {  	[smem:$0x3FAB] =	sst s0;
	s0 =	simm.s32 @!p1 $0x0  }
0x14: {  	s2 =	sld [smem:$0x3F8F];
	s0 =	simm.s32 @p1 $0x1  }
0x15: {  	[smem:$0x3FAC] =	sst s0;
	s0 =	simm.s32 @!p2 $0x0  }
0x16: {  	s3 =	sld [smem:$0x3FDB];
	s0 =	simm.s32 @p2 $0x1  }
0x17: {  	s4 =	simm.s32 $0x1BF5;
	[smem:$0x3FAE] =	sst s0  }
0x18: {  	s0 =	sld [smem:$0x3F91];
	_ =	swait.ge [sflag:s4], $0x0  }
0x19: {  	s7 =	sld [smem:$0x3F92]  }
0x1a: {  	s8 =	sadd.s32 $0xFFFFE003, lr  }
0x1b: {  	s9 =	sadd.s32 $0xFFFFFEF7, lr;
	s5 =	simm.s32 $0xFFFFFFFF;
	p2 =	slt.u32 s8, $0xFFFFF086  }
0x1c: {  	p1 =	slt.u32 s9, $0xF7A;
	s5 =	simm.s32 @!p2 $0x0  }
0x1d: {  	s5 =	simm.s32 @p1 $0x1;
	p0 =	seq.s32 s7, s2  }
0x1e: {  	s7 =	smul.u32 @!p0 $0xF7A, s2;
	p2 =	seq.s32 @!p0 s5, $0x0  }
0x1f: {  	s9 =	smul.u32 $0xF7A, s1;
	s8 =	simm.s32 @!p0 $0x1BF5;
	p2 =	por !p2, p0  }
0x20: {  	[sflag:s8] =	ssyncset.s32 @!p0 $0xFFFFF086;
	s6 =	sadd.s32 @!p0 s3, s7;
	s7 =	simm.s32 @!p0 $0x108  }
0x21: {  	s3 =	sadd.s32 s3, s9;
	s6 =	sadd.s32 @!p0 $0x88, s6;
	s7 =	simm.s32 @p2 $0x1082  }
0x22: {  	[simem:s7], [sflag:s8] =	dma.local @!p0 [hbm:s6], $0xF7A  }
0x23: {  	s9 =	sor.u32 $0xD0000000, s2;
	s6 =	simm.s32 $0x108;
	_ =	swait.ge @!p0 [sflag:s8], $0x0  }
0x24: {  	s3 =	sadd.s32 $0x88, s3;
	s6 =	simm.s32 @!p1 $0x1082;
	[sflag:s4] =	ssyncset.s32 $0xFFFFF086  }
0x25: {  	[simem:s6], [sflag:s4] =	dma.local [hbm:s3], $0xF7A  }
0x26: {  	[smem:$0x3F92] =	sst s1;
	(tag) =	ssettag s2;
	_ =	strace s9  }
0x27: {  	s1 =	sld [smem:$0x3FA2]  }
0x28: {  	s2 =	sld [smem:$0x3FA3]  }
0x29: {  	s4 =	sld [smem:$0x3FA5]  }
0x2a: {  	p0 =	seq.s32 s5, $0x0;
	s5 =	sld [smem:$0x3FA6]  }
0x2b: {  	s6 =	sld [smem:$0x3FA7]  }
0x2c: {  	s7 =	sld [smem:$0x3FA8]  }
0x2d: {  	s3 =	simm.s32 $0x108;
	s8 =	sld [smem:$0x3FA9]  }
0x2e: {  	s3 =	simm.s32 @!p0 $0x1082;
	s9 =	sld [smem:$0x3FAA]  }
0x2f: {  	lr =	sadd.s32 s0, s3;
	s0 =	sld [smem:$0x3FA1]  }
0x30: {  	s3 =	sld [smem:$0x3FA4]  }
0x31: {  	[smem:$0x3FAD] =	sst s10  }
0x32: {  	s10 =	sld [smem:$0x3FAB];
	_ =	sdelay $0x3  }
0x33: {  	p0 =	seq.s32 s10, $0x1;
	s10 =	sld [smem:$0x3FAD];
	_ =	sdelay $0x3  }
0x34: {  	[smem:$0x3FAD] =	sst s10  }
0x35: {  	s10 =	sld [smem:$0x3FAC];
	_ =	sdelay $0x3  }
0x36: {  	p1 =	seq.s32 s10, $0x1;
	s10 =	sld [smem:$0x3FAD];
	_ =	sdelay $0x3  }
0x37: {  	[smem:$0x3FAD] =	sst s10  }
0x38: {  	s10 =	sld [smem:$0x3FAE]  }
0x39: {  	_ = 	snop;
	(pc) =	sbr.ind lr, $3  }
0x3a: {  	_ = 	snop  }
0x3b: {  	_ = 	snop  }
0x3c: {  	p2 =	seq.s32 s10, $0x1;
	s10 =	sld [smem:$0x3FAD]  }
0x3d: {  	_ =	shalt  }
0x3e: {  	_ =	shalt  }
0x3f: {  	_ =	shalt  }
0x40: {  	_ =	shalt  }
0x41: {  	_ =	shalt  }
0x42: {  	_ =	shalt  }
0x43: {  	_ =	shalt  }
0x44: {  	_ =	shalt  }
0x45: {  	_ =	shalt  }
0x46: {  	_ =	shalt  }
0x47: {  	_ =	shalt  }
0x48: {  	_ =	shalt  }
0x49: {  	_ =	shalt  }
0x4a: {  	_ =	shalt  }
0x4b: {  	_ =	shalt  }
0x4c: {  	_ =	shalt  }
0x4d: {  	_ =	shalt  }
0x4e: {  	_ =	shalt  }
0x4f: {  	_ =	shalt  }
0x50: {  	_ =	shalt  }
0x51: {  	_ =	shalt  }
0x52: {  	_ =	shalt  }
0x53: {  	_ =	shalt  }
0x54: {  	_ =	shalt  }
0x55: {  	_ =	shalt  }
0x56: {  	_ =	shalt  }
0x57: {  	_ =	shalt  }
0x58: {  	_ =	shalt  }
0x59: {  	_ =	shalt  }
0x5a: {  	_ =	shalt  }
0x5b: {  	_ =	shalt  }
0x5c: {  	_ =	shalt  }
0x5d: {  	_ =	shalt  }
0x5e: {  	_ =	shalt  }
0x5f: {  	_ =	shalt  }
0x60: {  	_ =	shalt  }
0x61: {  	_ =	shalt  }
0x62: {  	_ =	shalt  }
0x63: {  	_ =	shalt  }
0x64: {  	_ =	shalt  }
0x65: {  	_ =	shalt  }
0x66: {  	_ =	shalt  }
0x67: {  	_ =	shalt  }
0x68: {  	_ =	shalt  }
0x69: {  	_ =	shalt  }
0x6a: {  	_ =	shalt  }
0x6b: {  	_ =	shalt  }
0x6c: {  	_ =	shalt  }
0x6d: {  	_ =	shalt  }
0x6e: {  	_ =	shalt  }
0x6f: {  	_ =	shalt  }
0x70: {  	_ =	shalt  }
0x71: {  	_ =	shalt  }
0x72: {  	_ =	shalt  }
0x73: {  	_ =	shalt  }
0x74: {  	_ =	shalt  }
0x75: {  	_ =	shalt  }
0x76: {  	_ =	shalt  }
0x77: {  	_ =	shalt  }
0x78: {  	_ =	shalt  }
0x79: {  	_ =	shalt  }
0x7a: {  	_ =	shalt  }
0x7b: {  	_ =	shalt  }
0x7c: {  	_ =	shalt  }
0x7d: {  	_ =	shalt  }
0x7e: {  	_ =	shalt  }
0x7f: {  	_ =	shalt  }
0x80: {  	_ =	shalt  }
0x81: {  	_ =	shalt  }
0x82: {  	_ =	shalt  }
0x83: {  	_ =	shalt  }
0x84: {  	_ =	shalt  }
0x85: {  	_ =	shalt  }
0x86: {  	_ =	shalt  }
0x87: {  	_ =	shalt  }
.Lfunc_end0:
.L_simem_size_0:
called_computation.1_lowered:
.L_overlay_start_0:
0x88: {  	s2 =	sld [smem:$0x3FD9]  }
0x89: {  	s3 =	sld [smem:$0x3FFE];
	_ =	sdelay $0x1  }
0x8a: {  	s1 =	srdreg.scid  }
0x8b: {  	s0 =	sand.u32 $0x1, s1  }
0x8c: {  	s16 =	sshll.u32 s0, $0xA;
	s2 =	sadd.s32 s3, s2  }
0x8d: {  	s2 =	sadd.s32 s2, s16  }
0x8e: {  	[smem:$0x3FB9] =	sst s2  }
0x8f: {  	_ = 	snop  }
0x90: {  	(tm) =	ssettm $0x1  }
0x91: {  	s17 =	sld [smem:$0x3FFB];
	_ =	sdelay $0x3  }
0x92: {  	_ =	strace s17  }
0x93: {  	s2 =	sld [smem:$0x3FFC];
	_ =	sdelay $0x3  }
0x94: {  	_ =	strace s2  }
0x95: {  	s2 =	sld [smem:$0x3FFD];
	_ =	sdelay $0x3  }
0x96: {  	_ =	strace s2  }
0x97: {  	_ =	strace $0x8FFFFFFF  }
0x98: {  	s18 =	sld [smem:$0x3FDB];
	_ =	sdelay $0x1  }
0x99: {  	s19 =	simm.s32 $_scs_section_size  }
0x9a: {  	s4 =	simm.s32 $_size__tile_overlayer_lowered;
	s5 =	simm.s32 $_tile_overlayer_lowered  }
0x9b: {  	s22 =	simm.s32 $0x1BFF;
	s21 =	sshll.u32 s5, $0x1;
	s2 =	sadd.s32 s19, s18  }
0x9c: {  	s6 =	simm.s32 $0x0;
	s20 =	sshll.u32 s4, $0x1;
	s4 =	sadd.s32 s21, s2  }
0x9d: {  	[timem:s6], [sflag:s22] =	dma.local [hbm:s4], s20  }
0x9e: {  	_ =	swait.ge [sflag:s22], s20  }
0x9f: {  	s3 =	ssub.s32 $0x0, s20;
	[sflag:s22] =	ssyncset.done $0x0  }
0xa0: {  	[sflag:s22] =	ssyncadd.s32 s3;
	_ =	sdelay $0x1  }
0xa1: {  	s23 =	simm.s32 $0x1B8B  }
0xa2: {  	_ =	swait.ge [sflag:s23], $0x1  }
0xa3: {  	[sflag:s23] =	ssyncset.done $0x0  }
0xa4: {  	s25 =	simm.s32 $0x1B8E;
	s24 =	sld [smem:$0x3FFE];
	[sflag:s23] =	ssyncadd.s32 $0xFFFFFFFF  }
0xa5: {  	s26 =	simm.s32 $execute0_lowered;
	[smem:$0x3FD2] =	sst s25  }
0xa6: {  	s4 =	sshll.u32 s26, $0x1;
	_ =	strace $0x80000049;
	[dreg:$0x1] =	wrdreg $0xFFFFFFFF  }
0xa7: {  	s28 =	simm.s32 $_size_execute0_lowered;
	s2 =	sadd.s32 s2, s4;
	[dreg:$0x0] =	wrdreg $0x0  }
0xa8: {  	s4 =	sshll.u32 s28, $0x1;
	[dreg:$0x2] =	wrdreg s2  }
0xa9: {  	[dreg:$0x3] =	wrdreg s4  }
0xaa: {  	[dreg:$0x4] =	wrdreg $0xC0  }
0xab: {  	_ =	task [dreg:s6], $0x5FFFF  }
0xac: {  	[dreg:$0x1] =	wrdreg $0xFFFFFFFF  }
0xad: {  	[dreg:$0x0] =	wrdreg $0x60  }
0xae: {  	[dreg:$0x2] =	wrdreg s24  }
0xaf: {  	[dreg:$0x3] =	wrdreg $0xB5400  }
0xb0: {  	[dreg:$0x4] =	wrdreg $0x9  }
0xb1: {  	_ =	task.clear_ibuf [dreg:s6], $0x5FFFF;
	_ =	strace $0x90000049  }
0xb2: {  	s29 =	simm.s32 $0x9;
	_ =	strace $0x8000004B  }
0xb3: {  	_ =	swait.ge [sflag:s29], $0x1  }
0xb4: {  	[sflag:s29] =	ssyncadd.s32 $0xFFFFFFFF  }
0xb5: {  	_ =	strace $0x9000004B  }
0xb6: {  	_ =	sfence  }
0xb7: {  	s30 =	sld [smem:$0x0];
	_ =	sdelay $0x2  }
0xb8: {  	s31 =	sshll.u32 s1, $0xD;
	s1 =	sshrl.u32 s1, $0x2  }
0xb9: {  	s3 =	sand.u32 $0x4000, s31;
	s1 =	sadd.s32 s1, s30  }
0xba: {  	s0 =	sor.u32 s3, s0;
	s1 =	sshll.u32 s1, $0x11  }
0xbb: {  	s0 =	sor.u32 s1, s0  }
0xbc: {  	s0 =	sadd.s32 $0x8F2B, s0  }
0xbd: {  	[sflag:s0] =	ssyncadd.remote.s32 $0x1  }
0xbe: {  	_ =	sfence.sel $0xFFFF  }
0xbf: {  	[dreg:$0x0] =	wrdreg $0xFFFFFFFF;
	(pc) =	sbr.abs _section_cstart, $3  }
0xc0: {  	[dreg:$0x1] =	wrdreg $0xFFFFFFFF  }
0xc1: {  	_ =	task.clear_ibuf [dreg:s6], $0x2FFFF;
	_ =	strace $0x9FFFFFFF  }
0xc2: {  	(tm) =	ssettm $0x7FFFFFFF  }
0xc3: {  	_ =	shalt  }
tec
execute0_lowered:
.L_overlay_start_1:
0x0: {  	(tag) =	ssettag $0x1  }
0x1: {  	s5 =	rddreg [dreg:$0x0]  }
0x2: {  	s0 =	srdreg.scid;
	s2 =	rddreg [dreg:$0x1]  }
0x3: {  	s1 =	rddreg [dreg:$0x2];
	s3 =	simm.s32 $0x0;
	s14 =	simm.s32 $0x64  }
0x4: {  	s15 =	simm.s32 $0x5140;
	s16 =	simm.s32 $0x8340;
	s17 =	simm.s32 $0x1  }
0x5: {  	s18 =	simm.s32 $0x2;
	s19 =	simm.s32 $0x2838;
	s6 =	sand.u32 $0x1, s0  }
0x6: {  	s20 =	simm.s32 $0x5070;
	s0 =	stileid.u32;
	s7 =	smul.u32 $0x5140, s6  }
0x7: {  	s21 =	simm.s32 $0x50D8;
	s22 =	simm.s32 $0x0;
	s8 =	smul.u32 $0x514, s0  }
0x8: {  	[smem:$0x7FF] =	sst s3;
	s4 =	sadd.s32 $0x11800, s5;
	s9 =	smul.u32 $0x2710, s6  }
0x9: {  	s10 =	smul.u32 $0x271, s0;
	_ =	strace $0x8000004A;
	s6 =	ssub.s32 $0x2, s6  }
0xa: {  	s29 =	smul.u32 $0x4E200, s0;
	s31 =	sshll.u32 s0, $0x6;
	s30 =	sshrl.u32 s6, $0x1  }
0xb: {  	s7 =	sadd.s32 s8, s7;
	s9 =	sadd.s32 s10, s9;
	s8 =	sadd.s32 s8, s5  }
0xc: {  	s10 =	sshrl.u32 s29, $0x2;
	s12 =	ssub.s32 s6, s30;
	s6 =	sor.u32 $0x1C03, s31  }
0xd: {  	s7 =	sadd.s32 s7, s5;
	s9 =	sshll.u32 s9, $0x4;
	s13 =	sadd.s32 s10, s2  }
0xe: {  	s8 =	sadd.s32 $0xC600, s8;
	s10 =	smax.u32 s12, $0x1;
	s12 =	simm.s32 $0x3  }
0xf: {  	s11 =	sadd.s32 s9, s5;
	s5 =	sadd.s32 s4, s9;
	s7 =	sadd.s32 $0x2200, s7  }
0x10: {  	s9 =	sadd.s32 $0x5FA00, s11;
	s11 =	sshrl.u32 s13, $0x3;
	s13 =	simm.s32 $0x28A0  }
.LBB2_1:
0x11: {  	[spmem:s11], [sflag:s6] =	dma.local [hbm:s5], $0x2710  }
0x12: {  	_ =	swait.ge [sflag:s12], $0x2710  }
0x13: {  	[sflag:s12] =	ssyncset.done $0x0  }
0x14: {  	[sflag:s12] =	ssyncadd.s32 $0xFFFFD8F0  }
0x15: {  	[tilespmem:s3], [sflag:$0x3] =	stream.linear.gather [hbm4b:s7+s3], $0x28A0, $0x38;
	[tilespmem:$0x1EE00] =	vst v63  }
0x16: {  	_ =	swait.ge [sflag:s12], $0x28A0  }
0x17: {  	[sflag:s12] =	ssyncset.done $0x0  }
0x18: {  	[sflag:s12] =	ssyncadd.s32 $0xFFFFD760  }
0x19: {  	[tilespmem:s13], [sflag:$0x3] =	stream.linear.gather [hbm4b:s8+s3], $0x28A0, $0x38;
	[tilespmem:$0x1EE00] =	vst v63  }
0x1a: {  	_ =	swait.ge [sflag:s12], $0x28A0  }
0x1b: {  	[sflag:s12] =	ssyncset.done $0x0  }
0x1c: {  	[sflag:s12] =	ssyncadd.s32 $0xFFFFD760  }
0x1d: {  	[tilespmem:s15], [sflag:$0x1] =	stream.indirect.gather [hbm4b:s4+s14], $0x80, s3, s14, $0xb8;
	[tilespmem:$0x1EE00] =	vst v63  }
0x1e: {  	s23 =	simm.s32 $0x68;
	[bflag:$0x0] =	sbarrier.arrive $0xFFFF  }
0x1f: {  	[tilespmem:s16], [sflag:$0x2] =	stream.indirect.gather [hbm4b:s4+s14], $0x80, s23, s14, $0xb8;
	[tilespmem:$0x1EE00] =	vst v63  }
0x20: {  	_ =	swait.ge [sflag:s17], $0x3200  }
0x21: {  	[sflag:s17] =	ssyncset.done $0x0  }
0x22: {  	s29 =	simm.s32 $0x28A0;
	[sflag:s17] =	ssyncadd.s32 $0xFFFFCE00  }
0x23: {  	[spmem:s2] =	stream.indirect.scatter.add.f32 [tilespmem:s15], [sflag:$0x3], $0x80, s29, s14, $0xb8;
	[tilespmem:$0x1EE00] =	vst v63  }
0x24: {  	_ =	swait.ge [sflag:s12], $0x3200  }
0x25: {  	[sflag:s12] =	ssyncset.done $0x0  }
0x26: {  	s30 =	simm.s32 $0xD0;
	[sflag:s12] =	ssyncadd.s32 $0xFFFFCE00  }
0x27: {  	[tilespmem:s15], [sflag:$0x1] =	stream.indirect.gather [hbm4b:s4+s14], $0x80, s30, s14, $0xb8;
	[tilespmem:$0x1EE00] =	vst v63  }
0x28: {  	_ =	swait.ge [sflag:s18], $0x3200  }
0x29: {  	[sflag:s18] =	ssyncset.done $0x0  }
0x2a: {  	s31 =	simm.s32 $0x2908;
	[sflag:s18] =	ssyncadd.s32 $0xFFFFCE00  }
0x2b: {  	[spmem:s2] =	stream.indirect.scatter.add.f32 [tilespmem:s16], [sflag:$0x3], $0x80, s31, s14, $0xb8;
	[tilespmem:$0x1EE00] =	vst v63  }
0x2c: {  	_ =	swait.ge [sflag:s12], $0x3200  }
0x2d: {  	s24 =	simm.s32 $0x680;
	s23 =	simm.s32 $0xD0;
	[sflag:s12] =	ssyncset.done $0x0  }
.LBB2_2:
0x2e: {  	s25 =	sadd.s32 $0x68, s23  }
0x2f: {  	[sflag:s12] =	ssyncadd.s32 $0xFFFFCE00;
	s26 =	smov.u32 s24;
	s28 =	sadd.s32 $0x340, s24  }
0x30: {  	[tilespmem:s16], [sflag:$0x2] =	stream.indirect.gather [hbm4b:s4+s14], $0x80, s25, s14, $0xb8;
	[tilespmem:$0x1EE00] =	vst v63  }
0x31: {  	p0 =	sne.s32 s24, $0x9C00;
	_ =	swait.ge [sflag:s17], $0x3200  }
0x32: {  	[sflag:s17] =	ssyncset.done $0x0  }
0x33: {  	s24 =	sadd.s32 $0x28A0, s23;
	[sflag:s17] =	ssyncadd.s32 $0xFFFFCE00  }
0x34: {  	[spmem:s2] =	stream.indirect.scatter.add.f32 [tilespmem:s15], [sflag:$0x3], $0x80, s24, s14, $0xb8;
	[tilespmem:$0x1EE00] =	vst v63  }
0x35: {  	_ =	swait.ge [sflag:s12], $0x3200  }
0x36: {  	[sflag:s12] =	ssyncset.done $0x0  }
0x37: {  	s24 =	sadd.s32 $0xD0, s23;
	[sflag:s12] =	ssyncadd.s32 $0xFFFFCE00  }
0x38: {  	[tilespmem:s15], [sflag:$0x1] =	stream.indirect.gather [hbm4b:s4+s14], $0x80, s24, s14, $0xb8;
	[tilespmem:$0x1EE00] =	vst v63  }
0x39: {  	_ =	swait.ge [sflag:s18], $0x3200  }
.Ltmp0:
0x3a: {  	[sflag:s18] =	ssyncset.done $0x0;
	(pc) =	sbr.rel @p0 .LBB2_2-.Ltmp0, $4  }
0x3b: {  	s23 =	sadd.s32 $0x2908, s23;
	[sflag:s18] =	ssyncadd.s32 $0xFFFFCE00  }
0x3c: {  	[spmem:s2] =	stream.indirect.scatter.add.f32 [tilespmem:s16], [sflag:$0x3], $0x80, s23, s14, $0xb8;
	[tilespmem:$0x1EE00] =	vst v63  }
0x3d: {  	_ =	swait.ge [sflag:s12], $0x3200  }
0x3e: {  	s24 =	smov.u32 s28;
	s23 =	sshra.s32 s26, $0x2;
	[sflag:s12] =	ssyncset.done $0x0  }
0x3f: {  	s24 =	sadd.s32 $0x68, s23;
	[sflag:s12] =	ssyncadd.s32 $0xFFFFCE00  }
0x40: {  	[tilespmem:s16], [sflag:$0x2] =	stream.indirect.gather [hbm4b:s4+s14], $0x80, s24, s14, $0xb8;
	[tilespmem:$0x1EE00] =	vst v63  }
0x41: {  	_ =	swait.ge [sflag:s17], $0x3200  }
0x42: {  	[sflag:s17] =	ssyncset.done $0x0  }
0x43: {  	s29 =	sadd.s32 $0x28A0, s23;
	[sflag:s17] =	ssyncadd.s32 $0xFFFFCE00  }
0x44: {  	[spmem:s2] =	stream.indirect.scatter.add.f32 [tilespmem:s15], [sflag:$0x3], $0x80, s29, s14, $0xb8;
	[tilespmem:$0x1EE00] =	vst v63  }
0x45: {  	_ =	swait.ge [sflag:s12], $0x3200  }
0x46: {  	[sflag:s12] =	ssyncset.done $0x0  }
0x47: {  	s30 =	sadd.s32 $0xD0, s23;
	[sflag:s12] =	ssyncadd.s32 $0xFFFFCE00  }
0x48: {  	[tilespmem:s15], [sflag:$0x1] =	stream.indirect.gather [hbm4b:s4+s14], $0x80, s30, s14, $0xb8;
	[tilespmem:$0x1EE00] =	vst v63  }
0x49: {  	_ =	swait.ge [sflag:s18], $0x3200  }
0x4a: {  	[sflag:s18] =	ssyncset.done $0x0  }
0x4b: {  	s31 =	sadd.s32 $0x2908, s23;
	[sflag:s18] =	ssyncadd.s32 $0xFFFFCE00  }
0x4c: {  	[spmem:s2] =	stream.indirect.scatter.add.f32 [tilespmem:s16], [sflag:$0x3], $0x80, s31, s14, $0xb8;
	[tilespmem:$0x1EE00] =	vst v63  }
0x4d: {  	_ =	swait.ge [sflag:s12], $0x3200  }
0x4e: {  	[sflag:s12] =	ssyncset.done $0x0  }
0x4f: {  	[sflag:s12] =	ssyncadd.s32 $0xFFFFCE00  }
0x50: {  	[tilespmem:s16], [sflag:$0x2] =	stream.indirect.gather [hbm4b:s4+s14], $0x80, s19, s14, $0xb8;
	[tilespmem:$0x1EE00] =	vst v63  }
0x51: {  	_ =	swait.ge [sflag:s17], $0x3200  }
0x52: {  	[sflag:s17] =	ssyncset.done $0x0  }
0x53: {  	[sflag:s17] =	ssyncadd.s32 $0xFFFFCE00  }
0x54: {  	[spmem:s2] =	stream.indirect.scatter.add.f32 [tilespmem:s15], [sflag:$0x3], $0x80, s20, s14, $0xb8;
	[tilespmem:$0x1EE00] =	vst v63  }
0x55: {  	_ =	swait.ge [sflag:s12], $0x3200  }
0x56: {  	[sflag:s12] =	ssyncset.done $0x0  }
0x57: {  	[sflag:s12] =	ssyncadd.s32 $0xFFFFCE00  }
0x58: {  	_ =	swait.ge [sflag:s18], $0x3200  }
0x59: {  	[sflag:s18] =	ssyncset.done $0x0  }
0x5a: {  	[sflag:s18] =	ssyncadd.s32 $0xFFFFCE00  }
0x5b: {  	[spmem:s2] =	stream.indirect.scatter.add.f32 [tilespmem:s16], [sflag:$0x3], $0x80, s21, s14, $0xb8;
	[tilespmem:$0x1EE00] =	vst v63  }
0x5c: {  	_ =	swait.ge [sflag:s12], $0x3200  }
0x5d: {  	s22 =	sadd.s32 $0x1, s22;
	[sflag:s12] =	ssyncset.done $0x0  }
0x5e: {  	p0 =	sne.s32 s22, s10;
	[sflag:s12] =	ssyncadd.s32 $0xFFFFCE00  }
.Ltmp1:
0x5f: {  	[bflag:$0x0] =	sbarrier.arrive $0xFFFF;
	(pc) =	sbr.rel @p0 .LBB2_1-.Ltmp1, $4  }
0x60: {  	[hbm:s9], [sflag:s6] =	dma.local [spmem:s11], $0x2710  }
0x61: {  	_ =	swait.ge [sflag:s12], $0x2710  }
0x62: {  	[sflag:s12] =	ssyncset.done $0x0  }
0x63: {  	[sflag:s12] =	ssyncadd.s32 $0xFFFFD8F0  }
0x64: {  	_ =	sfence.sel $0x180000  }
0x65: {  	[bflag:$0x0] =	sbarrier.arrive $0xFFFF  }
0x66: {  	p0 =	sne.s32 s0, $0x0;
	_ =	strace $0x9000004A  }
0x67: {  	s0 =	sadd.s32 @!p0 $0x100000, s1;
	[bflag:$0x2] =	sbarrier.arrive $0xFFFF  }
0x68: {  	[sflag:s0] =	ssyncadd.tile.s32 @!p0 $0x1;
	_ =	shalt  }
.Lfunc_end2:
_tile_overlayer_lowered:
.L_overlay_start_2:
0x69: {  	(tag) =	ssettag $0x2  }
0x6a: {  	s0 =	rddreg [dreg:$0x0];
	s2 =	stileid.u32  }
0x6b: {  	s1 =	rddreg [dreg:$0x1];
	p0 =	sne.s32 s2, $0x0  }
0x6c: {  	s3 =	rddreg [dreg:$0x2];
	[bflag:$0x3] =	sbarrier.arrive $0xFFFF;
	s2 =	simm.s32 @!p0 $0x1C03  }
0x6d: {  	[timem:s3], [sflag:s2] =	dma.local @!p0 [hbm:s0], s1  }
0x6e: {  	s0 =	simm.s32 @!p0 $0x3  }
0x6f: {  	_ =	swait.ge @!p0 [sflag:s0], s1  }
0x70: {  	s1 =	ssub.s32 @!p0 $0x0, s1;
	[sflag:s0] =	ssyncset.done @!p0 $0x0  }
0x71: {  	[sflag:s0] =	ssyncadd.s32 @!p0 s1  }
0x72: {  	[bflag:$0x3] =	sbarrier.arrive $0xFFFF  }
0x73: {  	_ =	shalt  }

// kernel: kernel.7.cloned.1.call-start
scs
__scs_entry_jumppad:
0x0: {  	(pc) =	sbr.rel $0x88, $3  }
0x1: {  	(tag) =	ssettag $0x0;
	lr =	simm.s32 $0x1  }
0x2: {  	[smem:$0x3F92] =	sst lr;
	_ =	strace $0xD0000000  }
0x3: {  	_ = 	snop  }
0x4: {  	_ = 	snop  }
0x5: {  	_ = 	snop  }
0x6: {  	_ = 	snop  }
0x7: {  	_ = 	snop  }
__scs_overlays_trampoline_lowered:
0x8: {  	[smem:$0x3FA1] =	sst s0  }
0x9: {  	[smem:$0x3FA2] =	sst s1  }
0xa: {  	[smem:$0x3FA3] =	sst s2  }
0xb: {  	[smem:$0x3FA4] =	sst s3  }
0xc: {  	[smem:$0x3FA5] =	sst s4  }
0xd: {  	[smem:$0x3FA6] =	sst s5  }
0xe: {  	[smem:$0x3FA7] =	sst s6  }
0xf: {  	[smem:$0x3FA8] =	sst s7  }
0x10: {  	[smem:$0x3FA9] =	sst s8  }
0x11: {  	[smem:$0x3FAA] =	sst s9;
	s0 =	simm.s32 @!p0 $0x0  }
0x12: {  	s1 =	sld [smem:$0x3F90];
	s0 =	simm.s32 @p0 $0x1  }
0x13: {  	[smem:$0x3FAB] =	sst s0;
	s0 =	simm.s32 @!p1 $0x0  }
0x14: {  	s2 =	sld [smem:$0x3F8F];
	s0 =	simm.s32 @p1 $0x1  }
0x15: {  	[smem:$0x3FAC] =	sst s0;
	s0 =	simm.s32 @!p2 $0x0  }
0x16: {  	s3 =	sld [smem:$0x3FDB];
	s0 =	simm.s32 @p2 $0x1  }
0x17: {  	s4 =	simm.s32 $0x1BF5;
	[smem:$0x3FAE] =	sst s0  }
0x18: {  	s0 =	sld [smem:$0x3F91];
	_ =	swait.ge [sflag:s4], $0x0  }
0x19: {  	s7 =	sld [smem:$0x3F92]  }
0x1a: {  	s8 =	sadd.s32 $0xFFFFE003, lr  }
0x1b: {  	s9 =	sadd.s32 $0xFFFFFEF7, lr;
	s5 =	simm.s32 $0xFFFFFFFF;
	p2 =	slt.u32 s8, $0xFFFFF086  }
0x1c: {  	p1 =	slt.u32 s9, $0xF7A;
	s5 =	simm.s32 @!p2 $0x0  }
0x1d: {  	s5 =	simm.s32 @p1 $0x1;
	p0 =	seq.s32 s7, s2  }
0x1e: {  	s7 =	smul.u32 @!p0 $0xF7A, s2;
	p2 =	seq.s32 @!p0 s5, $0x0  }
0x1f: {  	s9 =	smul.u32 $0xF7A, s1;
	s8 =	simm.s32 @!p0 $0x1BF5;
	p2 =	por !p2, p0  }
0x20: {  	[sflag:s8] =	ssyncset.s32 @!p0 $0xFFFFF086;
	s6 =	sadd.s32 @!p0 s3, s7;
	s7 =	simm.s32 @!p0 $0x108  }
0x21: {  	s3 =	sadd.s32 s3, s9;
	s6 =	sadd.s32 @!p0 $0x88, s6;
	s7 =	simm.s32 @p2 $0x1082  }
0x22: {  	[simem:s7], [sflag:s8] =	dma.local @!p0 [hbm:s6], $0xF7A  }
0x23: {  	s9 =	sor.u32 $0xD0000000, s2;
	s6 =	simm.s32 $0x108;
	_ =	swait.ge @!p0 [sflag:s8], $0x0  }
0x24: {  	s3 =	sadd.s32 $0x88, s3;
	s6 =	simm.s32 @!p1 $0x1082;
	[sflag:s4] =	ssyncset.s32 $0xFFFFF086  }
0x25: {  	[simem:s6], [sflag:s4] =	dma.local [hbm:s3], $0xF7A  }
0x26: {  	[smem:$0x3F92] =	sst s1;
	(tag) =	ssettag s2;
	_ =	strace s9  }
0x27: {  	s1 =	sld [smem:$0x3FA2]  }
0x28: {  	s2 =	sld [smem:$0x3FA3]  }
0x29: {  	s4 =	sld [smem:$0x3FA5]  }
0x2a: {  	p0 =	seq.s32 s5, $0x0;
	s5 =	sld [smem:$0x3FA6]  }
0x2b: {  	s6 =	sld [smem:$0x3FA7]  }
0x2c: {  	s7 =	sld [smem:$0x3FA8]  }
0x2d: {  	s3 =	simm.s32 $0x108;
	s8 =	sld [smem:$0x3FA9]  }
0x2e: {  	s3 =	simm.s32 @!p0 $0x1082;
	s9 =	sld [smem:$0x3FAA]  }
0x2f: {  	lr =	sadd.s32 s0, s3;
	s0 =	sld [smem:$0x3FA1]  }
0x30: {  	s3 =	sld [smem:$0x3FA4]  }
0x31: {  	[smem:$0x3FAD] =	sst s10  }
0x32: {  	s10 =	sld [smem:$0x3FAB];
	_ =	sdelay $0x3  }
0x33: {  	p0 =	seq.s32 s10, $0x1;
	s10 =	sld [smem:$0x3FAD];
	_ =	sdelay $0x3  }
0x34: {  	[smem:$0x3FAD] =	sst s10  }
0x35: {  	s10 =	sld [smem:$0x3FAC];
	_ =	sdelay $0x3  }
0x36: {  	p1 =	seq.s32 s10, $0x1;
	s10 =	sld [smem:$0x3FAD];
	_ =	sdelay $0x3  }
0x37: {  	[smem:$0x3FAD] =	sst s10  }
0x38: {  	s10 =	sld [smem:$0x3FAE]  }
0x39: {  	_ = 	snop;
	(pc) =	sbr.ind lr, $3  }
0x3a: {  	_ = 	snop  }
0x3b: {  	_ = 	snop  }
0x3c: {  	p2 =	seq.s32 s10, $0x1;
	s10 =	sld [smem:$0x3FAD]  }
0x3d: {  	_ =	shalt  }
0x3e: {  	_ =	shalt  }
0x3f: {  	_ =	shalt  }
0x40: {  	_ =	shalt  }
0x41: {  	_ =	shalt  }
0x42: {  	_ =	shalt  }
0x43: {  	_ =	shalt  }
0x44: {  	_ =	shalt  }
0x45: {  	_ =	shalt  }
0x46: {  	_ =	shalt  }
0x47: {  	_ =	shalt  }
0x48: {  	_ =	shalt  }
0x49: {  	_ =	shalt  }
0x4a: {  	_ =	shalt  }
0x4b: {  	_ =	shalt  }
0x4c: {  	_ =	shalt  }
0x4d: {  	_ =	shalt  }
0x4e: {  	_ =	shalt  }
0x4f: {  	_ =	shalt  }
0x50: {  	_ =	shalt  }
0x51: {  	_ =	shalt  }
0x52: {  	_ =	shalt  }
0x53: {  	_ =	shalt  }
0x54: {  	_ =	shalt  }
0x55: {  	_ =	shalt  }
0x56: {  	_ =	shalt  }
0x57: {  	_ =	shalt  }
0x58: {  	_ =	shalt  }
0x59: {  	_ =	shalt  }
0x5a: {  	_ =	shalt  }
0x5b: {  	_ =	shalt  }
0x5c: {  	_ =	shalt  }
0x5d: {  	_ =	shalt  }
0x5e: {  	_ =	shalt  }
0x5f: {  	_ =	shalt  }
0x60: {  	_ =	shalt  }
0x61: {  	_ =	shalt  }
0x62: {  	_ =	shalt  }
0x63: {  	_ =	shalt  }
0x64: {  	_ =	shalt  }
0x65: {  	_ =	shalt  }
0x66: {  	_ =	shalt  }
0x67: {  	_ =	shalt  }
0x68: {  	_ =	shalt  }
0x69: {  	_ =	shalt  }
0x6a: {  	_ =	shalt  }
0x6b: {  	_ =	shalt  }
0x6c: {  	_ =	shalt  }
0x6d: {  	_ =	shalt  }
0x6e: {  	_ =	shalt  }
0x6f: {  	_ =	shalt  }
0x70: {  	_ =	shalt  }
0x71: {  	_ =	shalt  }
0x72: {  	_ =	shalt  }
0x73: {  	_ =	shalt  }
0x74: {  	_ =	shalt  }
0x75: {  	_ =	shalt  }
0x76: {  	_ =	shalt  }
0x77: {  	_ =	shalt  }
0x78: {  	_ =	shalt  }
0x79: {  	_ =	shalt  }
0x7a: {  	_ =	shalt  }
0x7b: {  	_ =	shalt  }
0x7c: {  	_ =	shalt  }
0x7d: {  	_ =	shalt  }
0x7e: {  	_ =	shalt  }
0x7f: {  	_ =	shalt  }
0x80: {  	_ =	shalt  }
0x81: {  	_ =	shalt  }
0x82: {  	_ =	shalt  }
0x83: {  	_ =	shalt  }
0x84: {  	_ =	shalt  }
0x85: {  	_ =	shalt  }
0x86: {  	_ =	shalt  }
0x87: {  	_ =	shalt  }
.Lfunc_end0:
.L_simem_size_0:
called_computation_lowered:
.L_overlay_start_0:
0x88: {  	s2 =	sld [smem:$0x3FD9]  }
0x89: {  	s3 =	sld [smem:$0x3FFE];
	_ =	sdelay $0x1  }
0x8a: {  	s1 =	srdreg.scid  }
0x8b: {  	s0 =	sand.u32 $0x1, s1  }
0x8c: {  	s16 =	sshll.u32 s0, $0xA;
	s2 =	sadd.s32 s3, s2  }
0x8d: {  	s2 =	sadd.s32 s2, s16  }
0x8e: {  	[smem:$0x3FB9] =	sst s2  }
0x8f: {  	_ = 	snop  }
0x90: {  	(tm) =	ssettm $0x1  }
0x91: {  	s17 =	sld [smem:$0x3FFB];
	_ =	sdelay $0x3  }
0x92: {  	_ =	strace s17  }
0x93: {  	s2 =	sld [smem:$0x3FFC];
	_ =	sdelay $0x3  }
0x94: {  	_ =	strace s2  }
0x95: {  	s2 =	sld [smem:$0x3FFD];
	_ =	sdelay $0x3  }
0x96: {  	_ =	strace s2  }
0x97: {  	_ =	strace $0x8FFFFFFF  }
0x98: {  	s18 =	sld [smem:$0x3FDB];
	_ =	sdelay $0x1  }
0x99: {  	s19 =	simm.s32 $_scs_section_size  }
0x9a: {  	s4 =	simm.s32 $_size__tile_overlayer_lowered;
	s5 =	simm.s32 $_tile_overlayer_lowered  }
0x9b: {  	s22 =	simm.s32 $0x1BFF;
	s21 =	sshll.u32 s5, $0x1;
	s2 =	sadd.s32 s19, s18  }
0x9c: {  	s6 =	simm.s32 $0x0;
	s20 =	sshll.u32 s4, $0x1;
	s4 =	sadd.s32 s21, s2  }
0x9d: {  	[timem:s6], [sflag:s22] =	dma.local [hbm:s4], s20  }
0x9e: {  	_ =	swait.ge [sflag:s22], s20  }
0x9f: {  	s3 =	ssub.s32 $0x0, s20;
	[sflag:s22] =	ssyncset.done $0x0  }
0xa0: {  	[sflag:s22] =	ssyncadd.s32 s3;
	_ =	sdelay $0x1  }
0xa1: {  	s23 =	simm.s32 $0x1B8B  }
0xa2: {  	_ =	swait.ge [sflag:s23], $0x1  }
0xa3: {  	[sflag:s23] =	ssyncset.done $0x0  }
0xa4: {  	s25 =	simm.s32 $0x1B8E;
	s24 =	sld [smem:$0x3FFE];
	[sflag:s23] =	ssyncadd.s32 $0xFFFFFFFF  }
0xa5: {  	s26 =	simm.s32 $execute0_lowered;
	[smem:$0x3FD2] =	sst s25  }
0xa6: {  	s4 =	sshll.u32 s26, $0x1;
	_ =	strace $0x80000046;
	[dreg:$0x1] =	wrdreg $0xFFFFFFFF  }
0xa7: {  	s28 =	simm.s32 $_size_execute0_lowered;
	s2 =	sadd.s32 s2, s4;
	[dreg:$0x0] =	wrdreg $0x0  }
0xa8: {  	s4 =	sshll.u32 s28, $0x1;
	[dreg:$0x2] =	wrdreg s2  }
0xa9: {  	[dreg:$0x3] =	wrdreg s4  }
0xaa: {  	[dreg:$0x4] =	wrdreg $0xC0  }
0xab: {  	_ =	task [dreg:s6], $0x5FFFF  }
0xac: {  	[dreg:$0x1] =	wrdreg $0xFFFFFFFF  }
0xad: {  	[dreg:$0x0] =	wrdreg $0x60  }
0xae: {  	[dreg:$0x2] =	wrdreg s24  }
0xaf: {  	[dreg:$0x3] =	wrdreg $0xB5400  }
0xb0: {  	[dreg:$0x4] =	wrdreg $0x9  }
0xb1: {  	_ =	task.clear_ibuf [dreg:s6], $0x5FFFF;
	_ =	strace $0x90000046  }
0xb2: {  	s29 =	simm.s32 $0x9;
	_ =	strace $0x80000048  }
0xb3: {  	_ =	swait.ge [sflag:s29], $0x1  }
0xb4: {  	[sflag:s29] =	ssyncadd.s32 $0xFFFFFFFF  }
0xb5: {  	_ =	strace $0x90000048  }
0xb6: {  	_ =	sfence  }
0xb7: {  	s30 =	sld [smem:$0x0];
	_ =	sdelay $0x2  }
0xb8: {  	s31 =	sshll.u32 s1, $0xD;
	s1 =	sshrl.u32 s1, $0x2  }
0xb9: {  	s3 =	sand.u32 $0x4000, s31;
	s1 =	sadd.s32 s1, s30  }
0xba: {  	s0 =	sor.u32 s3, s0;
	s1 =	sshll.u32 s1, $0x11  }
0xbb: {  	s0 =	sor.u32 s1, s0  }
0xbc: {  	s0 =	sadd.s32 $0x8F2B, s0  }
0xbd: {  	[sflag:s0] =	ssyncadd.remote.s32 $0x1  }
0xbe: {  	_ =	sfence.sel $0xFFFF  }
0xbf: {  	[dreg:$0x0] =	wrdreg $0xFFFFFFFF;
	(pc) =	sbr.abs _section_cstart, $3  }
0xc0: {  	[dreg:$0x1] =	wrdreg $0xFFFFFFFF  }
0xc1: {  	_ =	task.clear_ibuf [dreg:s6], $0x2FFFF;
	_ =	strace $0x9FFFFFFF  }
0xc2: {  	(tm) =	ssettm $0x7FFFFFFF  }
0xc3: {  	_ =	shalt  }
tec
execute0_lowered:
.L_overlay_start_1:
0x0: {  	(tag) =	ssettag $0x1  }
0x1: {  	s5 =	rddreg [dreg:$0x0]  }
0x2: {  	s0 =	srdreg.scid;
	s2 =	rddreg [dreg:$0x1]  }
0x3: {  	s1 =	rddreg [dreg:$0x2];
	s3 =	simm.s32 $0x0;
	s14 =	simm.s32 $0x64  }
0x4: {  	s15 =	simm.s32 $0x5140;
	s16 =	simm.s32 $0x8340;
	s17 =	simm.s32 $0x1  }
0x5: {  	s18 =	simm.s32 $0x2;
	s19 =	simm.s32 $0x2838;
	s6 =	sand.u32 $0x1, s0  }
0x6: {  	s20 =	simm.s32 $0x5070;
	s0 =	stileid.u32;
	s7 =	smul.u32 $0x5140, s6  }
0x7: {  	s21 =	simm.s32 $0x50D8;
	s22 =	simm.s32 $0x0;
	s8 =	smul.u32 $0x514, s0  }
0x8: {  	[smem:$0x7FF] =	sst s3;
	s4 =	sadd.s32 $0x11800, s5;
	s9 =	smul.u32 $0x2710, s6  }
0x9: {  	s10 =	smul.u32 $0x271, s0;
	_ =	strace $0x80000047;
	s6 =	ssub.s32 $0x2, s6  }
0xa: {  	s29 =	smul.u32 $0x4E200, s0;
	s31 =	sshll.u32 s0, $0x6;
	s30 =	sshrl.u32 s6, $0x1  }
0xb: {  	s7 =	sadd.s32 s8, s7;
	s9 =	sadd.s32 s10, s9;
	s8 =	sadd.s32 s8, s5  }
0xc: {  	s10 =	sshrl.u32 s29, $0x2;
	s12 =	ssub.s32 s6, s30;
	s6 =	sor.u32 $0x1C03, s31  }
0xd: {  	s7 =	sadd.s32 s7, s5;
	s9 =	sshll.u32 s9, $0x4;
	s13 =	sadd.s32 s10, s2  }
0xe: {  	s8 =	sadd.s32 $0xC600, s8;
	s10 =	smax.u32 s12, $0x1;
	s12 =	simm.s32 $0x3  }
0xf: {  	s11 =	sadd.s32 s9, s5;
	s5 =	sadd.s32 s4, s9;
	s7 =	sadd.s32 $0x2200, s7  }
0x10: {  	s9 =	sadd.s32 $0x5FA00, s11;
	s11 =	sshrl.u32 s13, $0x3;
	s13 =	simm.s32 $0x28A0  }
.LBB2_1:
0x11: {  	[spmem:s11], [sflag:s6] =	dma.local [hbm:s5], $0x2710  }
0x12: {  	_ =	swait.ge [sflag:s12], $0x2710  }
0x13: {  	[sflag:s12] =	ssyncset.done $0x0  }
0x14: {  	[sflag:s12] =	ssyncadd.s32 $0xFFFFD8F0  }
0x15: {  	[tilespmem:s3], [sflag:$0x3] =	stream.linear.gather [hbm4b:s7+s3], $0x28A0, $0x38;
	[tilespmem:$0x1EE00] =	vst v63  }
0x16: {  	_ =	swait.ge [sflag:s12], $0x28A0  }
0x17: {  	[sflag:s12] =	ssyncset.done $0x0  }
0x18: {  	[sflag:s12] =	ssyncadd.s32 $0xFFFFD760  }
0x19: {  	[tilespmem:s13], [sflag:$0x3] =	stream.linear.gather [hbm4b:s8+s3], $0x28A0, $0x38;
	[tilespmem:$0x1EE00] =	vst v63  }
0x1a: {  	_ =	swait.ge [sflag:s12], $0x28A0  }
0x1b: {  	[sflag:s12] =	ssyncset.done $0x0  }
0x1c: {  	[sflag:s12] =	ssyncadd.s32 $0xFFFFD760  }
0x1d: {  	[tilespmem:s15], [sflag:$0x1] =	stream.indirect.gather [hbm4b:s4+s14], $0x80, s3, s14, $0xb8;
	[tilespmem:$0x1EE00] =	vst v63  }
0x1e: {  	s23 =	simm.s32 $0x68;
	[bflag:$0x0] =	sbarrier.arrive $0xFFFF  }
0x1f: {  	[tilespmem:s16], [sflag:$0x2] =	stream.indirect.gather [hbm4b:s4+s14], $0x80, s23, s14, $0xb8;
	[tilespmem:$0x1EE00] =	vst v63  }
0x20: {  	_ =	swait.ge [sflag:s17], $0x3200  }
0x21: {  	[sflag:s17] =	ssyncset.done $0x0  }
0x22: {  	s29 =	simm.s32 $0x28A0;
	[sflag:s17] =	ssyncadd.s32 $0xFFFFCE00  }
0x23: {  	[spmem:s2] =	stream.indirect.scatter.add.f32 [tilespmem:s15], [sflag:$0x3], $0x80, s29, s14, $0xb8;
	[tilespmem:$0x1EE00] =	vst v63  }
0x24: {  	_ =	swait.ge [sflag:s12], $0x3200  }
0x25: {  	[sflag:s12] =	ssyncset.done $0x0  }
0x26: {  	s30 =	simm.s32 $0xD0;
	[sflag:s12] =	ssyncadd.s32 $0xFFFFCE00  }
0x27: {  	[tilespmem:s15], [sflag:$0x1] =	stream.indirect.gather [hbm4b:s4+s14], $0x80, s30, s14, $0xb8;
	[tilespmem:$0x1EE00] =	vst v63  }
0x28: {  	_ =	swait.ge [sflag:s18], $0x3200  }
0x29: {  	[sflag:s18] =	ssyncset.done $0x0  }
0x2a: {  	s31 =	simm.s32 $0x2908;
	[sflag:s18] =	ssyncadd.s32 $0xFFFFCE00  }
0x2b: {  	[spmem:s2] =	stream.indirect.scatter.add.f32 [tilespmem:s16], [sflag:$0x3], $0x80, s31, s14, $0xb8;
	[tilespmem:$0x1EE00] =	vst v63  }
0x2c: {  	_ =	swait.ge [sflag:s12], $0x3200  }
0x2d: {  	s24 =	simm.s32 $0x680;
	s23 =	simm.s32 $0xD0;
	[sflag:s12] =	ssyncset.done $0x0  }
.LBB2_2:
0x2e: {  	s25 =	sadd.s32 $0x68, s23  }
0x2f: {  	[sflag:s12] =	ssyncadd.s32 $0xFFFFCE00;
	s26 =	smov.u32 s24;
	s28 =	sadd.s32 $0x340, s24  }
0x30: {  	[tilespmem:s16], [sflag:$0x2] =	stream.indirect.gather [hbm4b:s4+s14], $0x80, s25, s14, $0xb8;
	[tilespmem:$0x1EE00] =	vst v63  }
0x31: {  	p0 =	sne.s32 s24, $0x9C00;
	_ =	swait.ge [sflag:s17], $0x3200  }
0x32: {  	[sflag:s17] =	ssyncset.done $0x0  }
0x33: {  	s24 =	sadd.s32 $0x28A0, s23;
	[sflag:s17] =	ssyncadd.s32 $0xFFFFCE00  }
0x34: {  	[spmem:s2] =	stream.indirect.scatter.add.f32 [tilespmem:s15], [sflag:$0x3], $0x80, s24, s14, $0xb8;
	[tilespmem:$0x1EE00] =	vst v63  }
0x35: {  	_ =	swait.ge [sflag:s12], $0x3200  }
0x36: {  	[sflag:s12] =	ssyncset.done $0x0  }
0x37: {  	s24 =	sadd.s32 $0xD0, s23;
	[sflag:s12] =	ssyncadd.s32 $0xFFFFCE00  }
0x38: {  	[tilespmem:s15], [sflag:$0x1] =	stream.indirect.gather [hbm4b:s4+s14], $0x80, s24, s14, $0xb8;
	[tilespmem:$0x1EE00] =	vst v63  }
0x39: {  	_ =	swait.ge [sflag:s18], $0x3200  }
.Ltmp0:
0x3a: {  	[sflag:s18] =	ssyncset.done $0x0;
	(pc) =	sbr.rel @p0 .LBB2_2-.Ltmp0, $4  }
0x3b: {  	s23 =	sadd.s32 $0x2908, s23;
	[sflag:s18] =	ssyncadd.s32 $0xFFFFCE00  }
0x3c: {  	[spmem:s2] =	stream.indirect.scatter.add.f32 [tilespmem:s16], [sflag:$0x3], $0x80, s23, s14, $0xb8;
	[tilespmem:$0x1EE00] =	vst v63  }
0x3d: {  	_ =	swait.ge [sflag:s12], $0x3200  }
0x3e: {  	s24 =	smov.u32 s28;
	s23 =	sshra.s32 s26, $0x2;
	[sflag:s12] =	ssyncset.done $0x0  }
0x3f: {  	s24 =	sadd.s32 $0x68, s23;
	[sflag:s12] =	ssyncadd.s32 $0xFFFFCE00  }
0x40: {  	[tilespmem:s16], [sflag:$0x2] =	stream.indirect.gather [hbm4b:s4+s14], $0x80, s24, s14, $0xb8;
	[tilespmem:$0x1EE00] =	vst v63  }
0x41: {  	_ =	swait.ge [sflag:s17], $0x3200  }
0x42: {  	[sflag:s17] =	ssyncset.done $0x0  }
0x43: {  	s29 =	sadd.s32 $0x28A0, s23;
	[sflag:s17] =	ssyncadd.s32 $0xFFFFCE00  }
0x44: {  	[spmem:s2] =	stream.indirect.scatter.add.f32 [tilespmem:s15], [sflag:$0x3], $0x80, s29, s14, $0xb8;
	[tilespmem:$0x1EE00] =	vst v63  }
0x45: {  	_ =	swait.ge [sflag:s12], $0x3200  }
0x46: {  	[sflag:s12] =	ssyncset.done $0x0  }
0x47: {  	s30 =	sadd.s32 $0xD0, s23;
	[sflag:s12] =	ssyncadd.s32 $0xFFFFCE00  }
0x48: {  	[tilespmem:s15], [sflag:$0x1] =	stream.indirect.gather [hbm4b:s4+s14], $0x80, s30, s14, $0xb8;
	[tilespmem:$0x1EE00] =	vst v63  }
0x49: {  	_ =	swait.ge [sflag:s18], $0x3200  }
0x4a: {  	[sflag:s18] =	ssyncset.done $0x0  }
0x4b: {  	s31 =	sadd.s32 $0x2908, s23;
	[sflag:s18] =	ssyncadd.s32 $0xFFFFCE00  }
0x4c: {  	[spmem:s2] =	stream.indirect.scatter.add.f32 [tilespmem:s16], [sflag:$0x3], $0x80, s31, s14, $0xb8;
	[tilespmem:$0x1EE00] =	vst v63  }
0x4d: {  	_ =	swait.ge [sflag:s12], $0x3200  }
0x4e: {  	[sflag:s12] =	ssyncset.done $0x0  }
0x4f: {  	[sflag:s12] =	ssyncadd.s32 $0xFFFFCE00  }
0x50: {  	[tilespmem:s16], [sflag:$0x2] =	stream.indirect.gather [hbm4b:s4+s14], $0x80, s19, s14, $0xb8;
	[tilespmem:$0x1EE00] =	vst v63  }
0x51: {  	_ =	swait.ge [sflag:s17], $0x3200  }
0x52: {  	[sflag:s17] =	ssyncset.done $0x0  }
0x53: {  	[sflag:s17] =	ssyncadd.s32 $0xFFFFCE00  }
0x54: {  	[spmem:s2] =	stream.indirect.scatter.add.f32 [tilespmem:s15], [sflag:$0x3], $0x80, s20, s14, $0xb8;
	[tilespmem:$0x1EE00] =	vst v63  }
0x55: {  	_ =	swait.ge [sflag:s12], $0x3200  }
0x56: {  	[sflag:s12] =	ssyncset.done $0x0  }
0x57: {  	[sflag:s12] =	ssyncadd.s32 $0xFFFFCE00  }
0x58: {  	_ =	swait.ge [sflag:s18], $0x3200  }
0x59: {  	[sflag:s18] =	ssyncset.done $0x0  }
0x5a: {  	[sflag:s18] =	ssyncadd.s32 $0xFFFFCE00  }
0x5b: {  	[spmem:s2] =	stream.indirect.scatter.add.f32 [tilespmem:s16], [sflag:$0x3], $0x80, s21, s14, $0xb8;
	[tilespmem:$0x1EE00] =	vst v63  }
0x5c: {  	_ =	swait.ge [sflag:s12], $0x3200  }
0x5d: {  	s22 =	sadd.s32 $0x1, s22;
	[sflag:s12] =	ssyncset.done $0x0  }
0x5e: {  	p0 =	sne.s32 s22, s10;
	[sflag:s12] =	ssyncadd.s32 $0xFFFFCE00  }
.Ltmp1:
0x5f: {  	[bflag:$0x0] =	sbarrier.arrive $0xFFFF;
	(pc) =	sbr.rel @p0 .LBB2_1-.Ltmp1, $4  }
0x60: {  	[hbm:s9], [sflag:s6] =	dma.local [spmem:s11], $0x2710  }
0x61: {  	_ =	swait.ge [sflag:s12], $0x2710  }
0x62: {  	[sflag:s12] =	ssyncset.done $0x0  }
0x63: {  	[sflag:s12] =	ssyncadd.s32 $0xFFFFD8F0  }
0x64: {  	_ =	sfence.sel $0x180000  }
0x65: {  	[bflag:$0x0] =	sbarrier.arrive $0xFFFF  }
0x66: {  	p0 =	sne.s32 s0, $0x0;
	_ =	strace $0x90000047  }
0x67: {  	s0 =	sadd.s32 @!p0 $0x100000, s1;
	[bflag:$0x2] =	sbarrier.arrive $0xFFFF  }
0x68: {  	[sflag:s0] =	ssyncadd.tile.s32 @!p0 $0x1;
	_ =	shalt  }
.Lfunc_end2:
_tile_overlayer_lowered:
.L_overlay_start_2:
0x69: {  	(tag) =	ssettag $0x2  }
0x6a: {  	s0 =	rddreg [dreg:$0x0];
	s2 =	stileid.u32  }
0x6b: {  	s1 =	rddreg [dreg:$0x1];
	p0 =	sne.s32 s2, $0x0  }
0x6c: {  	s3 =	rddreg [dreg:$0x2];
	[bflag:$0x3] =	sbarrier.arrive $0xFFFF;
	s2 =	simm.s32 @!p0 $0x1C03  }
0x6d: {  	[timem:s3], [sflag:s2] =	dma.local @!p0 [hbm:s0], s1  }
0x6e: {  	s0 =	simm.s32 @!p0 $0x3  }
0x6f: {  	_ =	swait.ge @!p0 [sflag:s0], s1  }
0x70: {  	s1 =	ssub.s32 @!p0 $0x0, s1;
	[sflag:s0] =	ssyncset.done @!p0 $0x0  }
0x71: {  	[sflag:s0] =	ssyncadd.s32 @!p0 s1  }
0x72: {  	[bflag:$0x3] =	sbarrier.arrive $0xFFFF  }
0x73: {  	_ =	shalt  }

</sc_bundles>
